<compile_context>
chip_gen: v7x
topology: tpu7x:2x2x1
jax: 0.10.2.dev20260603
libtpu: 0.0.44.dev20260713+nightly
codegen_flags: <defaults>
</compile_context>

<pallas_src>
import functools

import jax
import jax.numpy as jnp
from jax import lax
from jax.experimental import pallas as pl
from jax.experimental.pallas import tpu as pltpu
from jax.experimental.pallas import tpu_sc as plsc

_K = 8192
_D = 256
_N = 8192
_T = 256
_KC = 1024
_NT = _N // _T
_NKC = _K // _KC
_COMMIT = 0.25


def _vq_argmin_body(z_ref, w2_ref, zsq_ref, wsq_ref, idx_ref, enc_ref, lp_ref):
    z = z_ref[...]
    zsq = zsq_ref[0, 0, :]
    cols0 = lax.broadcasted_iota(jnp.int32, (_T, _KC), 1)

    def chunk(k, carry):
        mv, mi = carry
        w2 = w2_ref[pl.ds(k * _KC, _KC), :]
        m2 = lax.dot_general(z, w2, (((1,), (1,)), ((), ())),
                             preferred_element_type=jnp.float32)
        wsq = wsq_ref[0, 0, pl.ds(k * _KC, _KC)]
        d = (zsq[:, None] + wsq[None, :]) - m2
        big = jnp.int32(2**30)
        bm8 = d[:, 0:128]
        for j in range(1, _KC // 128):
            bm8 = jnp.minimum(bm8, d[:, j * 128:(j + 1) * 128])
        ba8 = jnp.full((_T, 128), big, jnp.int32)
        for j in range(_KC // 128 - 1, -1, -1):
            eq = d[:, j * 128:(j + 1) * 128] == bm8
            ba8 = jnp.where(eq, cols0[:, j * 128:(j + 1) * 128], ba8)
        bm = jnp.min(bm8, axis=1)
        ba = jnp.min(jnp.where(bm8 == bm[:, None], ba8, big),
                     axis=1) + k * _KC
        upd = bm < mv
        return jnp.where(upd, bm, mv), jnp.where(upd, ba, mi)

    def half_min(k0):
        mv = jnp.full((_T,), jnp.inf, jnp.float32)
        mi = jnp.zeros((_T,), jnp.int32)
        for k in range(k0, k0 + _NKC // 2):
            mv, mi = chunk(k, (mv, mi))
        return mv, mi

    mv_a, mi_a = half_min(0)
    mv_b, mi_b = half_min(_NKC // 2)
    mva_q = mv_a.astype(jnp.bfloat16).astype(jnp.float32)
    upd = mv_b < mva_q
    mv = jnp.where(upd, mv_b, mv_a)
    mi = jnp.where(upd, mi_b, mi_a)
    idx_ref[0, 0, :] = mi
    cols = lax.broadcasted_iota(jnp.int32, (_T, _K), 1)
    enc_ref[...] = (cols == mi[:, None]).astype(jnp.float32)
    lp_ref[0, 0, 0] = jnp.sum(mv)


def _vq_argmin(flat, W, zsq3, wsq3):
    return pl.pallas_call(
        _vq_argmin_body,
        grid=(_NT,),
        in_specs=[
            pl.BlockSpec((_T, _D), lambda t: (t, 0)),
            pl.BlockSpec((_K, _D), lambda t: (0, 0)),
            pl.BlockSpec((1, 1, _T), lambda t: (t, 0, 0)),
            pl.BlockSpec((1, 1, _K), lambda t: (0, 0, 0)),
        ],
        out_specs=[
            pl.BlockSpec((1, 1, _T), lambda t: (t, 0, 0)),
            pl.BlockSpec((_T, _K), lambda t: (t, 0)),
            pl.BlockSpec((1, 1, 1), lambda t: (t, 0, 0),
                         memory_space=pltpu.SMEM),
        ],
        out_shape=[
            jax.ShapeDtypeStruct((_NT, 1, _T), jnp.int32),
            jax.ShapeDtypeStruct((_N, _K), jnp.float32),
            jax.ShapeDtypeStruct((_NT, 1, 1), jnp.float32),
        ],
    )(flat, W, zsq3, wsq3)


def _gather_rows(W, idx3):
    info = plsc.get_sparse_core_info()
    nc, ns = info.num_cores, info.num_subcores
    nw = nc * ns
    bpw = _N // nw
    nch = bpw // 128
    mesh = plsc.VectorSubcoreMesh(core_axis_name="c", subcore_axis_name="s")

    @functools.partial(
        pl.kernel, mesh=mesh,
        out_type=jax.ShapeDtypeStruct((_N, _D), jnp.float32),
        scratch_types=[
            pltpu.VMEM((nch, 128), jnp.int32),
            pltpu.VMEM((bpw, _D), jnp.float32),
            pltpu.SemaphoreType.DMA,
        ],
    )
    def body(idx_hbm, w_hbm, out_hbm, idx_v, rows_v, sem):
        wid = lax.axis_index("s") * nc + lax.axis_index("c")
        base = wid * bpw
        pltpu.sync_copy(idx_hbm.at[wid], idx_v)
        copies = [
            pltpu.async_copy(w_hbm.at[idx_v.at[j]],
                             rows_v.at[pl.ds(j * 128, 128)], sem)
            for j in range(nch)
        ]
        for c in copies:
            c.wait()
        pltpu.sync_copy(rows_v, out_hbm.at[pl.ds(base, bpw)])

    return body(idx3, W)


def kernel(x, W):
    inputs = jnp.transpose(x, (0, 2, 3, 1))
    flat = inputs.reshape(-1, _D)
    zsq = jnp.sum(flat ** 2, axis=1)
    wsq = jnp.sum(W ** 2, axis=1)
    idx3, enc, lpart = _vq_argmin(flat, W * 2.0, zsq.reshape(_NT, 1, _T),
                                  wsq.reshape(1, 1, _K))
    nw = 32
    qflat = _gather_rows(W, idx3.reshape(nw, _N // nw // 128, 128))
    quantized = qflat.reshape(inputs.shape)
    l = jnp.sum(lpart) / (_N * _D)
    loss = l + _COMMIT * l
    return loss, jnp.transpose(quantized, (0, 3, 1, 2)), enc

# --- scband reference (transcript-rebuilt; emitter-appended) ---
"""Pipeline reference for scband-vector-quantizer-10222022165028 (READ-ONLY COPY).

The authoritative reference and input builder live on the scoring server;
editing this copy changes nothing except your own understanding.
"""

import jax, jax.numpy as jnp
import numpy as np

CODEBOOK_SIZE = 8192
EMBEDDING_DIM = 256
COMMITMENT_COST = 0.25


def setup_inputs(seed: int = 0) -> dict:
    key = jax.random.key(seed)
    k1, k2 = jax.random.split(key)
    x = jax.random.normal(k1, (8, 256, 32, 32), dtype=jnp.float32)
    W = jax.random.uniform(k2, (CODEBOOK_SIZE, EMBEDDING_DIM), dtype=jnp.float32,
                           minval=-1.0 / CODEBOOK_SIZE, maxval=1.0 / CODEBOOK_SIZE)
    return {"x": x, "W": W}


def reference(x, W):
    # permute BCHW -> BHWC
    inputs = jnp.transpose(x, (0, 2, 3, 1))
    input_shape = inputs.shape
    flat_input = inputs.reshape(-1, EMBEDDING_DIM)
    # squared L2 distances to every codebook entry
    distances = (jnp.sum(flat_input ** 2, axis=1, keepdims=True)
                 + jnp.sum(W ** 2, axis=1)
                 - 2.0 * jnp.matmul(flat_input, W.T))
    encoding_indices = jnp.argmin(distances, axis=1)
    n = flat_input.shape[0]
    # scatter-overwrite one-hot encodings (torch scatter_ equivalent)
    encodings = jnp.zeros((n, CODEBOOK_SIZE), dtype=jnp.float32).at[jnp.arange(n), encoding_indices].set(1.0)
    quantized = jnp.matmul(encodings, W).reshape(input_shape)
    e_latent_loss = jnp.mean((jax.lax.stop_gradient(quantized) - inputs) ** 2)
    q_latent_loss = jnp.mean((quantized - jax.lax.stop_gradient(inputs)) ** 2)
    loss = q_latent_loss + COMMITMENT_COST * e_latent_loss
    # straight-through estimator
    quantized_st = inputs + jax.lax.stop_gradient(quantized - inputs)
    return loss, jnp.transpose(quantized_st, (0, 3, 1, 2)), encodings

if __name__ == "__main__":
    import jax
    _d = setup_inputs()
    print(jax.jit(kernel)(*tuple(_d.values())))

</pallas_src>

<mosaic_0001>
#map = affine_map<(d0, d1) -> (0, 0, 0)>
#map1 = affine_map<(d0, d1) -> (0, 0)>
module attributes {stable_mosaic.version = 14 : i64} {
  func.func @body(%arg0: i32, %arg1: i32, %arg2: memref<32x2x128xi32, #tpu.memory_space<hbm>>, %arg3: memref<8192x256xf32, #tpu.memory_space<hbm>>, %arg4: memref<8192x256xf32, #tpu.memory_space<hbm>>, %arg5: memref<2x128xi32, #tpu.memory_space<vmem>>, %arg6: memref<256x256xf32, #tpu.memory_space<vmem>>, %arg7: memref<!tpu.dma_semaphore, #tpu.memory_space<semaphore_mem>>) attributes {dimension_semantics = [#tpu.dimension_semantics<core_parallel>, #tpu.dimension_semantics<subcore_parallel>], iteration_bounds = array<i64: 2, 16>, scalar_prefetch = 0 : i64, scratch_operands = 3 : i64, tpu.core_type = #tpu.core_type<sc_vector_subcore>, window_params = [{transform_indices = #map}, {transform_indices = #map1}, {transform_indices = #map1}]} {
    %mul3A = arith.constant 2 : i32
    %mul3A_0 = arith.muli %arg1, %mul3A : i32
    %add3A = arith.addi %mul3A_0, %arg0 : i32
    %mul3A_1 = arith.constant 256 : i32
    %mul3A_2 = arith.muli %add3A, %mul3A_1 : i32
    "tpu.region"() ({
      %run_scoped3A = tpu.sem_alloc : memref<!tpu.dma_semaphore, #tpu.memory_space<semaphore_mem>>
      %dma_start3A_41 = arith.constant 0 : i32
      %dma_start3A_42 = arith.constant 0 : i32
      %dma_start3A_43 = tpu.memref_slice %arg2[%add3A, %dma_start3A_41, %dma_start3A_42] : memref<32x2x128xi32, #tpu.memory_space<hbm>> -> memref<1x2x128xi32, #tpu.memory_space<hbm>>
      %dma_start3A_44 = tpu.memref_squeeze %dma_start3A_43 : memref<1x2x128xi32, #tpu.memory_space<hbm>> -> memref<2x128xi32, #tpu.memory_space<hbm>>
      %dma_start3A_45 = arith.constant 0 : i32
      %dma_start3A_46 = arith.constant 0 : i32
      %dma_start3A_47 = tpu.memref_slice %arg2[%add3A, %dma_start3A_45, %dma_start3A_46] : memref<32x2x128xi32, #tpu.memory_space<hbm>> -> memref<1x2x128xi32, #tpu.memory_space<hbm>>
      %dma_start3A_48 = tpu.memref_squeeze %dma_start3A_47 : memref<1x2x128xi32, #tpu.memory_space<hbm>> -> memref<2x128xi32, #tpu.memory_space<hbm>>
      tpu.enqueue_dma source(%dma_start3A_48 : memref<2x128xi32, #tpu.memory_space<hbm>>) target(%arg5 : memref<2x128xi32, #tpu.memory_space<vmem>>) target_semaphore(%run_scoped3A : memref<!tpu.dma_semaphore, #tpu.memory_space<semaphore_mem>>)
      %dma_wait3A_49 = arith.constant 0 : i32
      %dma_wait3A_50 = arith.constant 0 : i32
      %dma_wait3A_51 = tpu.memref_slice %arg2[%add3A, %dma_wait3A_49, %dma_wait3A_50] : memref<32x2x128xi32, #tpu.memory_space<hbm>> -> memref<1x2x128xi32, #tpu.memory_space<hbm>>
      %dma_wait3A_52 = tpu.memref_squeeze %dma_wait3A_51 : memref<1x2x128xi32, #tpu.memory_space<hbm>> -> memref<2x128xi32, #tpu.memory_space<hbm>>
      %dma_wait3A_53 = arith.constant 0 : i32
      %dma_wait3A_54 = arith.constant 0 : i32
      %dma_wait3A_55 = tpu.memref_slice %arg2[%add3A, %dma_wait3A_53, %dma_wait3A_54] : memref<32x2x128xi32, #tpu.memory_space<hbm>> -> memref<1x2x128xi32, #tpu.memory_space<hbm>>
      %dma_wait3A_56 = tpu.memref_squeeze %dma_wait3A_55 : memref<1x2x128xi32, #tpu.memory_space<hbm>> -> memref<2x128xi32, #tpu.memory_space<hbm>>
      tpu.wait_dma2 semaphore(%run_scoped3A : memref<!tpu.dma_semaphore, #tpu.memory_space<semaphore_mem>>) src(%dma_wait3A_56 : memref<2x128xi32, #tpu.memory_space<hbm>>) dst(%arg5 : memref<2x128xi32, #tpu.memory_space<vmem>>)
      tpu.yield
    }) : () -> ()
    %dma_start3A = arith.constant 0 : i32
    %dma_start3A_3 = arith.constant 0 : i32
    %dma_start3A_4 = arith.constant 0 : i32
    %dma_start3A_5 = tpu.memref_slice %arg6[%dma_start3A_3, %dma_start3A_4] : memref<256x256xf32, #tpu.memory_space<vmem>> -> memref<128x256xf32, #tpu.memory_space<vmem>>
    %dma_start3A_6 = arith.constant 0 : i32
    %dma_start3A_7 = tpu.memref_slice %arg5[%dma_start3A, %dma_start3A_6] : memref<2x128xi32, #tpu.memory_space<vmem>> -> memref<1x128xi32, #tpu.memory_space<vmem>>
    %dma_start3A_8 = tpu.memref_squeeze %dma_start3A_7 : memref<1x128xi32, #tpu.memory_space<vmem>> -> memref<128xi32, #tpu.memory_space<vmem>>
    %dma_start3A_9 = arith.constant 0 : i32
    %dma_start3A_10 = arith.constant 0 : i32
    %dma_start3A_11 = tpu.memref_slice %arg3[%dma_start3A_9, %dma_start3A_10] : memref<8192x256xf32, #tpu.memory_space<hbm>> -> memref<8192x256xf32, #tpu.memory_space<hbm>>
    tpu.enqueue_indirect_dma source(%dma_start3A_11 : memref<8192x256xf32, #tpu.memory_space<hbm>>) target(%dma_start3A_5 : memref<128x256xf32, #tpu.memory_space<vmem>>) offsets(%dma_start3A_8 : memref<128xi32, #tpu.memory_space<vmem>>) semaphore(%arg7 : memref<!tpu.dma_semaphore, #tpu.memory_space<semaphore_mem>>)
    %dma_start3A_12 = arith.constant 1 : i32
    %dma_start3A_13 = arith.constant 128 : i32
    %dma_start3A_14 = arith.constant 0 : i32
    %dma_start3A_15 = tpu.memref_slice %arg6[%dma_start3A_13, %dma_start3A_14] : memref<256x256xf32, #tpu.memory_space<vmem>> -> memref<128x256xf32, #tpu.memory_space<vmem>>
    %dma_start3A_16 = arith.constant 0 : i32
    %dma_start3A_17 = tpu.memref_slice %arg5[%dma_start3A_12, %dma_start3A_16] : memref<2x128xi32, #tpu.memory_space<vmem>> -> memref<1x128xi32, #tpu.memory_space<vmem>>
    %dma_start3A_18 = tpu.memref_squeeze %dma_start3A_17 : memref<1x128xi32, #tpu.memory_space<vmem>> -> memref<128xi32, #tpu.memory_space<vmem>>
    %dma_start3A_19 = arith.constant 0 : i32
    %dma_start3A_20 = arith.constant 0 : i32
    %dma_start3A_21 = tpu.memref_slice %arg3[%dma_start3A_19, %dma_start3A_20] : memref<8192x256xf32, #tpu.memory_space<hbm>> -> memref<8192x256xf32, #tpu.memory_space<hbm>>
    tpu.enqueue_indirect_dma source(%dma_start3A_21 : memref<8192x256xf32, #tpu.memory_space<hbm>>) target(%dma_start3A_15 : memref<128x256xf32, #tpu.memory_space<vmem>>) offsets(%dma_start3A_18 : memref<128xi32, #tpu.memory_space<vmem>>) semaphore(%arg7 : memref<!tpu.dma_semaphore, #tpu.memory_space<semaphore_mem>>)
    %dma_wait3A = arith.constant 0 : i32
    %dma_wait3A_22 = arith.constant 0 : i32
    %dma_wait3A_23 = arith.constant 0 : i32
    %dma_wait3A_24 = tpu.memref_slice %arg6[%dma_wait3A_22, %dma_wait3A_23] : memref<256x256xf32, #tpu.memory_space<vmem>> -> memref<128x256xf32, #tpu.memory_space<vmem>>
    %dma_wait3A_25 = arith.constant 0 : i32
    %dma_wait3A_26 = tpu.memref_slice %arg5[%dma_wait3A, %dma_wait3A_25] : memref<2x128xi32, #tpu.memory_space<vmem>> -> memref<1x128xi32, #tpu.memory_space<vmem>>
    %dma_wait3A_27 = tpu.memref_squeeze %dma_wait3A_26 : memref<1x128xi32, #tpu.memory_space<vmem>> -> memref<128xi32, #tpu.memory_space<vmem>>
    %dma_wait3A_28 = arith.constant 0 : i32
    %dma_wait3A_29 = arith.constant 0 : i32
    %dma_wait3A_30 = tpu.memref_slice %arg3[%dma_wait3A_28, %dma_wait3A_29] : memref<8192x256xf32, #tpu.memory_space<hbm>> -> memref<8192x256xf32, #tpu.memory_space<hbm>>
    tpu.wait_indirect_dma semaphore(%arg7 : memref<!tpu.dma_semaphore, #tpu.memory_space<semaphore_mem>>) src(%dma_wait3A_30 : memref<8192x256xf32, #tpu.memory_space<hbm>>) dst(%dma_wait3A_24 : memref<128x256xf32, #tpu.memory_space<vmem>>)
    %dma_wait3A_31 = arith.constant 1 : i32
    %dma_wait3A_32 = arith.constant 128 : i32
    %dma_wait3A_33 = arith.constant 0 : i32
    %dma_wait3A_34 = tpu.memref_slice %arg6[%dma_wait3A_32, %dma_wait3A_33] : memref<256x256xf32, #tpu.memory_space<vmem>> -> memref<128x256xf32, #tpu.memory_space<vmem>>
    %dma_wait3A_35 = arith.constant 0 : i32
    %dma_wait3A_36 = tpu.memref_slice %arg5[%dma_wait3A_31, %dma_wait3A_35] : memref<2x128xi32, #tpu.memory_space<vmem>> -> memref<1x128xi32, #tpu.memory_space<vmem>>
    %dma_wait3A_37 = tpu.memref_squeeze %dma_wait3A_36 : memref<1x128xi32, #tpu.memory_space<vmem>> -> memref<128xi32, #tpu.memory_space<vmem>>
    %dma_wait3A_38 = arith.constant 0 : i32
    %dma_wait3A_39 = arith.constant 0 : i32
    %dma_wait3A_40 = tpu.memref_slice %arg3[%dma_wait3A_38, %dma_wait3A_39] : memref<8192x256xf32, #tpu.memory_space<hbm>> -> memref<8192x256xf32, #tpu.memory_space<hbm>>
    tpu.wait_indirect_dma semaphore(%arg7 : memref<!tpu.dma_semaphore, #tpu.memory_space<semaphore_mem>>) src(%dma_wait3A_40 : memref<8192x256xf32, #tpu.memory_space<hbm>>) dst(%dma_wait3A_34 : memref<128x256xf32, #tpu.memory_space<vmem>>)
    "tpu.region"() ({
      %run_scoped3A = tpu.sem_alloc : memref<!tpu.dma_semaphore, #tpu.memory_space<semaphore_mem>>
      %dma_start3A_41 = arith.constant 0 : i32
      %dma_start3A_42 = tpu.memref_slice %arg4[%mul3A_2, %dma_start3A_41] : memref<8192x256xf32, #tpu.memory_space<hbm>> -> memref<256x256xf32, #tpu.memory_space<hbm>>
      %dma_start3A_43 = arith.constant 0 : i32
      %dma_start3A_44 = tpu.memref_slice %arg4[%mul3A_2, %dma_start3A_43] : memref<8192x256xf32, #tpu.memory_space<hbm>> -> memref<256x256xf32, #tpu.memory_space<hbm>>
      tpu.enqueue_dma source(%arg6 : memref<256x256xf32, #tpu.memory_space<vmem>>) target(%dma_start3A_44 : memref<256x256xf32, #tpu.memory_space<hbm>>) target_semaphore(%run_scoped3A : memref<!tpu.dma_semaphore, #tpu.memory_space<semaphore_mem>>)
      %dma_wait3A_45 = arith.constant 0 : i32
      %dma_wait3A_46 = tpu.memref_slice %arg4[%mul3A_2, %dma_wait3A_45] : memref<8192x256xf32, #tpu.memory_space<hbm>> -> memref<256x256xf32, #tpu.memory_space<hbm>>
      %dma_wait3A_47 = arith.constant 0 : i32
      %dma_wait3A_48 = tpu.memref_slice %arg4[%mul3A_2, %dma_wait3A_47] : memref<8192x256xf32, #tpu.memory_space<hbm>> -> memref<256x256xf32, #tpu.memory_space<hbm>>
      tpu.wait_dma2 semaphore(%run_scoped3A : memref<!tpu.dma_semaphore, #tpu.memory_space<semaphore_mem>>) src(%arg6 : memref<256x256xf32, #tpu.memory_space<vmem>>) dst(%dma_wait3A_48 : memref<256x256xf32, #tpu.memory_space<hbm>>)
      tpu.yield
    }) : () -> ()
    return
  }
}

module attributes {stable_mosaic.version = 14 : i64} {
  func.func @_vq_argmin_body(%arg0: i32, %arg1: memref<256x256xf32, #tpu.memory_space<vmem>>, %arg2: memref<8192x256xf32, #tpu.memory_space<vmem>>, %arg3: memref<1x1x256xf32, #tpu.memory_space<vmem>>, %arg4: memref<1x1x8192xf32, #tpu.memory_space<vmem>>, %arg5: memref<1x1x256xi32, #tpu.memory_space<vmem>>, %arg6: memref<256x8192xf32, #tpu.memory_space<vmem>>, %arg7: memref<1x1x1xf32, #tpu.memory_space<smem>>) attributes {dimension_semantics = [#tpu.dimension_semantics<arbitrary>], iteration_bounds = array<i64: 32>, scalar_prefetch = 0 : i64, scratch_operands = 0 : i64, tpu.core_type = #tpu.core_type<tc>, window_params = [{transform_indices = @transform_0, window_bounds = array<i64: 256, 256>}, {pipeline_mode = #tpu.pipeline_mode<synchronous>, transform_indices = @transform_1, window_bounds = array<i64: 8192, 256>}, {transform_indices = @transform_2, window_bounds = array<i64: 1, 1, 256>}, {pipeline_mode = #tpu.pipeline_mode<synchronous>, transform_indices = @transform_3, window_bounds = array<i64: 1, 1, 8192>}, {transform_indices = @transform_4, window_bounds = array<i64: 1, 1, 256>}, {transform_indices = @transform_5, window_bounds = array<i64: 256, 8192>}, {transform_indices = @transform_6, window_bounds = array<i64: 1, 1, 1>}]} {
    %get3A = arith.constant 0 : index
    %get3A_0 = arith.constant 0 : index
    %get3A_1 = vector.load %arg1[%get3A, %get3A_0] : memref<256x256xf32, #tpu.memory_space<vmem>>, vector<256x256xf32>
    %get3A_2 = arith.constant 0 : index
    %get3A_3 = arith.constant 0 : index
    %get3A_4 = arith.constant 0 : index
    %get3A_5 = vector.load %arg3[%get3A_2, %get3A_3, %get3A_4] : memref<1x1x256xf32, #tpu.memory_space<vmem>>, vector<1x1x256xf32>
    %get3A_6 = vector.shape_cast %get3A_5 : vector<1x1x256xf32> to vector<256xf32>
    %iota3A = tpu.iota {dimensions = array<i32: 1>} : vector<256x1024xi32>
    %broadcast_in_dim3A = arith.constant 0x7F800000 : f32
    %broadcast_in_dim3A_7 = vector.broadcast %broadcast_in_dim3A : f32 to vector<256xf32>
    %broadcast_in_dim3A_8 = arith.constant 0 : i32
    %broadcast_in_dim3A_9 = vector.broadcast %broadcast_in_dim3A_8 : i32 to vector<256xi32>
    %get3A_10 = arith.constant 0 : index
    %get3A_11 = arith.constant 0 : index
    %get3A_12 = vector.load %arg2[%get3A_10, %get3A_11] : memref<8192x256xf32, #tpu.memory_space<vmem>>, vector<1024x256xf32>
    %dot_general3A = arith.constant dense<0.000000e+00> : vector<256x1024xf32>
    %dot_general3A_13 = tpu.matmul %get3A_1, %get3A_12, %dot_general3A {dimension_numbers = #tpu.dot_dimension_numbers<[1], [1], [0], [0], [0, 0, 1, 0], [], []>, transpose_lhs_hint = false} : vector<256x256xf32>, vector<1024x256xf32>, vector<256x1024xf32> -> vector<256x1024xf32>
    %get3A_14 = arith.constant 0 : index
    %get3A_15 = arith.constant 0 : index
    %get3A_16 = arith.constant 0 : index
    %get3A_17 = vector.load %arg4[%get3A_14, %get3A_15, %get3A_16] : memref<1x1x8192xf32, #tpu.memory_space<vmem>>, vector<1x1x1024xf32>
    %get3A_18 = vector.shape_cast %get3A_17 : vector<1x1x1024xf32> to vector<1024xf32>
    %broadcast_in_dim3A_19 = vector.shape_cast %get3A_6 : vector<256xf32> to vector<256x1xf32>
    %broadcast_in_dim3A_20 = vector.shape_cast %get3A_18 : vector<1024xf32> to vector<1x1024xf32>
    %add3A = vector.broadcast %broadcast_in_dim3A_19 : vector<256x1xf32> to vector<256x1024xf32>
    %add3A_21 = vector.broadcast %broadcast_in_dim3A_20 : vector<1x1024xf32> to vector<256x1024xf32>
    %add3A_22 = arith.addf %add3A, %add3A_21 : vector<256x1024xf32>
    %sub3A = arith.subf %add3A_22, %dot_general3A_13 : vector<256x1024xf32>
    %slice3A = vector.extract_strided_slice %sub3A {offsets = [0, 0], sizes = [256, 128], strides = [1, 1]} : vector<256x1024xf32> to vector<256x128xf32>
    %slice3A_23 = vector.extract_strided_slice %sub3A {offsets = [0, 128], sizes = [256, 128], strides = [1, 1]} : vector<256x1024xf32> to vector<256x128xf32>
    %min3A = arith.minimumf %slice3A, %slice3A_23 : vector<256x128xf32>
    %slice3A_24 = vector.extract_strided_slice %sub3A {offsets = [0, 256], sizes = [256, 128], strides = [1, 1]} : vector<256x1024xf32> to vector<256x128xf32>
    %min3A_25 = arith.minimumf %min3A, %slice3A_24 : vector<256x128xf32>
    %slice3A_26 = vector.extract_strided_slice %sub3A {offsets = [0, 384], sizes = [256, 128], strides = [1, 1]} : vector<256x1024xf32> to vector<256x128xf32>
    %min3A_27 = arith.minimumf %min3A_25, %slice3A_26 : vector<256x128xf32>
    %slice3A_28 = vector.extract_strided_slice %sub3A {offsets = [0, 512], sizes = [256, 128], strides = [1, 1]} : vector<256x1024xf32> to vector<256x128xf32>
    %min3A_29 = arith.minimumf %min3A_27, %slice3A_28 : vector<256x128xf32>
    %slice3A_30 = vector.extract_strided_slice %sub3A {offsets = [0, 640], sizes = [256, 128], strides = [1, 1]} : vector<256x1024xf32> to vector<256x128xf32>
    %min3A_31 = arith.minimumf %min3A_29, %slice3A_30 : vector<256x128xf32>
    %slice3A_32 = vector.extract_strided_slice %sub3A {offsets = [0, 768], sizes = [256, 128], strides = [1, 1]} : vector<256x1024xf32> to vector<256x128xf32>
    %min3A_33 = arith.minimumf %min3A_31, %slice3A_32 : vector<256x128xf32>
    %slice3A_34 = vector.extract_strided_slice %sub3A {offsets = [0, 896], sizes = [256, 128], strides = [1, 1]} : vector<256x1024xf32> to vector<256x128xf32>
    %min3A_35 = arith.minimumf %min3A_33, %slice3A_34 : vector<256x128xf32>
    %broadcast_in_dim3A_36 = arith.constant 1073741824 : i32
    %broadcast_in_dim3A_37 = vector.broadcast %broadcast_in_dim3A_36 : i32 to vector<256x128xi32>
    %slice3A_38 = vector.extract_strided_slice %sub3A {offsets = [0, 896], sizes = [256, 128], strides = [1, 1]} : vector<256x1024xf32> to vector<256x128xf32>
    %eq3A = arith.cmpf oeq, %slice3A_38, %min3A_35 : vector<256x128xf32>
    %slice3A_39 = vector.extract_strided_slice %iota3A {offsets = [0, 896], sizes = [256, 128], strides = [1, 1]} : vector<256x1024xi32> to vector<256x128xi32>
    %select_n3A = arith.select %eq3A, %slice3A_39, %broadcast_in_dim3A_37 : vector<256x128xi1>, vector<256x128xi32>
    %slice3A_40 = vector.extract_strided_slice %sub3A {offsets = [0, 768], sizes = [256, 128], strides = [1, 1]} : vector<256x1024xf32> to vector<256x128xf32>
    %eq3A_41 = arith.cmpf oeq, %slice3A_40, %min3A_35 : vector<256x128xf32>
    %slice3A_42 = vector.extract_strided_slice %iota3A {offsets = [0, 768], sizes = [256, 128], strides = [1, 1]} : vector<256x1024xi32> to vector<256x128xi32>
    %select_n3A_43 = arith.select %eq3A_41, %slice3A_42, %select_n3A : vector<256x128xi1>, vector<256x128xi32>
    %slice3A_44 = vector.extract_strided_slice %sub3A {offsets = [0, 640], sizes = [256, 128], strides = [1, 1]} : vector<256x1024xf32> to vector<256x128xf32>
    %eq3A_45 = arith.cmpf oeq, %slice3A_44, %min3A_35 : vector<256x128xf32>
    %slice3A_46 = vector.extract_strided_slice %iota3A {offsets = [0, 640], sizes = [256, 128], strides = [1, 1]} : vector<256x1024xi32> to vector<256x128xi32>
    %select_n3A_47 = arith.select %eq3A_45, %slice3A_46, %select_n3A_43 : vector<256x128xi1>, vector<256x128xi32>
    %slice3A_48 = vector.extract_strided_slice %sub3A {offsets = [0, 512], sizes = [256, 128], strides = [1, 1]} : vector<256x1024xf32> to vector<256x128xf32>
    %eq3A_49 = arith.cmpf oeq, %slice3A_48, %min3A_35 : vector<256x128xf32>
    %slice3A_50 = vector.extract_strided_slice %iota3A {offsets = [0, 512], sizes = [256, 128], strides = [1, 1]} : vector<256x1024xi32> to vector<256x128xi32>
    %select_n3A_51 = arith.select %eq3A_49, %slice3A_50, %select_n3A_47 : vector<256x128xi1>, vector<256x128xi32>
    %slice3A_52 = vector.extract_strided_slice %sub3A {offsets = [0, 384], sizes = [256, 128], strides = [1, 1]} : vector<256x1024xf32> to vector<256x128xf32>
    %eq3A_53 = arith.cmpf oeq, %slice3A_52, %min3A_35 : vector<256x128xf32>
    %slice3A_54 = vector.extract_strided_slice %iota3A {offsets = [0, 384], sizes = [256, 128], strides = [1, 1]} : vector<256x1024xi32> to vector<256x128xi32>
    %select_n3A_55 = arith.select %eq3A_53, %slice3A_54, %select_n3A_51 : vector<256x128xi1>, vector<256x128xi32>
    %slice3A_56 = vector.extract_strided_slice %sub3A {offsets = [0, 256], sizes = [256, 128], strides = [1, 1]} : vector<256x1024xf32> to vector<256x128xf32>
    %eq3A_57 = arith.cmpf oeq, %slice3A_56, %min3A_35 : vector<256x128xf32>
    %slice3A_58 = vector.extract_strided_slice %iota3A {offsets = [0, 256], sizes = [256, 128], strides = [1, 1]} : vector<256x1024xi32> to vector<256x128xi32>
    %select_n3A_59 = arith.select %eq3A_57, %slice3A_58, %select_n3A_55 : vector<256x128xi1>, vector<256x128xi32>
    %slice3A_60 = vector.extract_strided_slice %sub3A {offsets = [0, 128], sizes = [256, 128], strides = [1, 1]} : vector<256x1024xf32> to vector<256x128xf32>
    %eq3A_61 = arith.cmpf oeq, %slice3A_60, %min3A_35 : vector<256x128xf32>
    %slice3A_62 = vector.extract_strided_slice %iota3A {offsets = [0, 128], sizes = [256, 128], strides = [1, 1]} : vector<256x1024xi32> to vector<256x128xi32>
    %select_n3A_63 = arith.select %eq3A_61, %slice3A_62, %select_n3A_59 : vector<256x128xi1>, vector<256x128xi32>
    %slice3A_64 = vector.extract_strided_slice %sub3A {offsets = [0, 0], sizes = [256, 128], strides = [1, 1]} : vector<256x1024xf32> to vector<256x128xf32>
    %eq3A_65 = arith.cmpf oeq, %slice3A_64, %min3A_35 : vector<256x128xf32>
    %slice3A_66 = vector.extract_strided_slice %iota3A {offsets = [0, 0], sizes = [256, 128], strides = [1, 1]} : vector<256x1024xi32> to vector<256x128xi32>
    %select_n3A_67 = arith.select %eq3A_65, %slice3A_66, %select_n3A_63 : vector<256x128xi1>, vector<256x128xi32>
    %reduce_min3A = arith.constant dense<0x7F800000> : vector<256xf32>
    %reduce_min3A_68 = vector.multi_reduction <minimumf>, %min3A_35, %reduce_min3A [1] : vector<256x128xf32> to vector<256xf32>
    %broadcast_in_dim3A_69 = vector.shape_cast %reduce_min3A_68 : vector<256xf32> to vector<256x1xf32>
    %eq3A_70 = vector.broadcast %broadcast_in_dim3A_69 : vector<256x1xf32> to vector<256x128xf32>
    %eq3A_71 = arith.cmpf oeq, %min3A_35, %eq3A_70 : vector<256x128xf32>
    %jit3A = arith.constant 1073741824 : i32
    %broadcast_in_dim3A_72 = vector.broadcast %jit3A : i32 to vector<256x128xi32>
    %select_n3A_73 = arith.select %eq3A_71, %select_n3A_67, %broadcast_in_dim3A_72 : vector<256x128xi1>, vector<256x128xi32>
    %reduce_min3A_74 = arith.constant dense<2147483647> : vector<256xi32>
    %reduce_min3A_75 = vector.multi_reduction <minsi>, %select_n3A_73, %reduce_min3A_74 [1] : vector<256x128xi32> to vector<256xi32>
    %add3A_76 = arith.constant 0 : i32
    %add3A_77 = vector.broadcast %add3A_76 : i32 to vector<256xi32>
    %add3A_78 = arith.addi %reduce_min3A_75, %add3A_77 : vector<256xi32>
    %lt3A = arith.cmpf olt, %reduce_min3A_68, %broadcast_in_dim3A_7 : vector<256xf32>
    %select_n3A_79 = arith.select %lt3A, %reduce_min3A_68, %broadcast_in_dim3A_7 : vector<256xi1>, vector<256xf32>
    %select_n3A_80 = arith.select %lt3A, %add3A_78, %broadcast_in_dim3A_9 : vector<256xi1>, vector<256xi32>
    %get3A_81 = arith.constant 1024 : index
    %get3A_82 = arith.constant 0 : index
    %get3A_83 = vector.load %arg2[%get3A_81, %get3A_82] : memref<8192x256xf32, #tpu.memory_space<vmem>>, vector<1024x256xf32>
    %dot_general3A_84 = arith.constant dense<0.000000e+00> : vector<256x1024xf32>
    %dot_general3A_85 = tpu.matmul %get3A_1, %get3A_83, %dot_general3A_84 {dimension_numbers = #tpu.dot_dimension_numbers<[1], [1], [0], [0], [0, 0, 1, 0], [], []>, transpose_lhs_hint = false} : vector<256x256xf32>, vector<1024x256xf32>, vector<256x1024xf32> -> vector<256x1024xf32>
    %get3A_86 = arith.constant 0 : index
    %get3A_87 = arith.constant 0 : index
    %get3A_88 = arith.constant 1024 : index
    %get3A_89 = vector.load %arg4[%get3A_86, %get3A_87, %get3A_88] : memref<1x1x8192xf32, #tpu.memory_space<vmem>>, vector<1x1x1024xf32>
    %get3A_90 = vector.shape_cast %get3A_89 : vector<1x1x1024xf32> to vector<1024xf32>
    %broadcast_in_dim3A_91 = vector.shape_cast %get3A_6 : vector<256xf32> to vector<256x1xf32>
    %broadcast_in_dim3A_92 = vector.shape_cast %get3A_90 : vector<1024xf32> to vector<1x1024xf32>
    %add3A_93 = vector.broadcast %broadcast_in_dim3A_91 : vector<256x1xf32> to vector<256x1024xf32>
    %add3A_94 = vector.broadcast %broadcast_in_dim3A_92 : vector<1x1024xf32> to vector<256x1024xf32>
    %add3A_95 = arith.addf %add3A_93, %add3A_94 : vector<256x1024xf32>
    %sub3A_96 = arith.subf %add3A_95, %dot_general3A_85 : vector<256x1024xf32>
    %slice3A_97 = vector.extract_strided_slice %sub3A_96 {offsets = [0, 0], sizes = [256, 128], strides = [1, 1]} : vector<256x1024xf32> to vector<256x128xf32>
    %slice3A_98 = vector.extract_strided_slice %sub3A_96 {offsets = [0, 128], sizes = [256, 128], strides = [1, 1]} : vector<256x1024xf32> to vector<256x128xf32>
    %min3A_99 = arith.minimumf %slice3A_97, %slice3A_98 : vector<256x128xf32>
    %slice3A_100 = vector.extract_strided_slice %sub3A_96 {offsets = [0, 256], sizes = [256, 128], strides = [1, 1]} : vector<256x1024xf32> to vector<256x128xf32>
    %min3A_101 = arith.minimumf %min3A_99, %slice3A_100 : vector<256x128xf32>
    %slice3A_102 = vector.extract_strided_slice %sub3A_96 {offsets = [0, 384], sizes = [256, 128], strides = [1, 1]} : vector<256x1024xf32> to vector<256x128xf32>
    %min3A_103 = arith.minimumf %min3A_101, %slice3A_102 : vector<256x128xf32>
    %slice3A_104 = vector.extract_strided_slice %sub3A_96 {offsets = [0, 512], sizes = [256, 128], strides = [1, 1]} : vector<256x1024xf32> to vector<256x128xf32>
    %min3A_105 = arith.minimumf %min3A_103, %slice3A_104 : vector<256x128xf32>
    %slice3A_106 = vector.extract_strided_slice %sub3A_96 {offsets = [0, 640], sizes = [256, 128], strides = [1, 1]} : vector<256x1024xf32> to vector<256x128xf32>
    %min3A_107 = arith.minimumf %min3A_105, %slice3A_106 : vector<256x128xf32>
    %slice3A_108 = vector.extract_strided_slice %sub3A_96 {offsets = [0, 768], sizes = [256, 128], strides = [1, 1]} : vector<256x1024xf32> to vector<256x128xf32>
    %min3A_109 = arith.minimumf %min3A_107, %slice3A_108 : vector<256x128xf32>
    %slice3A_110 = vector.extract_strided_slice %sub3A_96 {offsets = [0, 896], sizes = [256, 128], strides = [1, 1]} : vector<256x1024xf32> to vector<256x128xf32>
    %min3A_111 = arith.minimumf %min3A_109, %slice3A_110 : vector<256x128xf32>
    %broadcast_in_dim3A_112 = arith.constant 1073741824 : i32
    %broadcast_in_dim3A_113 = vector.broadcast %broadcast_in_dim3A_112 : i32 to vector<256x128xi32>
    %slice3A_114 = vector.extract_strided_slice %sub3A_96 {offsets = [0, 896], sizes = [256, 128], strides = [1, 1]} : vector<256x1024xf32> to vector<256x128xf32>
    %eq3A_115 = arith.cmpf oeq, %slice3A_114, %min3A_111 : vector<256x128xf32>
    %slice3A_116 = vector.extract_strided_slice %iota3A {offsets = [0, 896], sizes = [256, 128], strides = [1, 1]} : vector<256x1024xi32> to vector<256x128xi32>
    %select_n3A_117 = arith.select %eq3A_115, %slice3A_116, %broadcast_in_dim3A_113 : vector<256x128xi1>, vector<256x128xi32>
    %slice3A_118 = vector.extract_strided_slice %sub3A_96 {offsets = [0, 768], sizes = [256, 128], strides = [1, 1]} : vector<256x1024xf32> to vector<256x128xf32>
    %eq3A_119 = arith.cmpf oeq, %slice3A_118, %min3A_111 : vector<256x128xf32>
    %slice3A_120 = vector.extract_strided_slice %iota3A {offsets = [0, 768], sizes = [256, 128], strides = [1, 1]} : vector<256x1024xi32> to vector<256x128xi32>
    %select_n3A_121 = arith.select %eq3A_119, %slice3A_120, %select_n3A_117 : vector<256x128xi1>, vector<256x128xi32>
    %slice3A_122 = vector.extract_strided_slice %sub3A_96 {offsets = [0, 640], sizes = [256, 128], strides = [1, 1]} : vector<256x1024xf32> to vector<256x128xf32>
    %eq3A_123 = arith.cmpf oeq, %slice3A_122, %min3A_111 : vector<256x128xf32>
    %slice3A_124 = vector.extract_strided_slice %iota3A {offsets = [0, 640], sizes = [256, 128], strides = [1, 1]} : vector<256x1024xi32> to vector<256x128xi32>
    %select_n3A_125 = arith.select %eq3A_123, %slice3A_124, %select_n3A_121 : vector<256x128xi1>, vector<256x128xi32>
    %slice3A_126 = vector.extract_strided_slice %sub3A_96 {offsets = [0, 512], sizes = [256, 128], strides = [1, 1]} : vector<256x1024xf32> to vector<256x128xf32>
    %eq3A_127 = arith.cmpf oeq, %slice3A_126, %min3A_111 : vector<256x128xf32>
    %slice3A_128 = vector.extract_strided_slice %iota3A {offsets = [0, 512], sizes = [256, 128], strides = [1, 1]} : vector<256x1024xi32> to vector<256x128xi32>
    %select_n3A_129 = arith.select %eq3A_127, %slice3A_128, %select_n3A_125 : vector<256x128xi1>, vector<256x128xi32>
    %slice3A_130 = vector.extract_strided_slice %sub3A_96 {offsets = [0, 384], sizes = [256, 128], strides = [1, 1]} : vector<256x1024xf32> to vector<256x128xf32>
    %eq3A_131 = arith.cmpf oeq, %slice3A_130, %min3A_111 : vector<256x128xf32>
    %slice3A_132 = vector.extract_strided_slice %iota3A {offsets = [0, 384], sizes = [256, 128], strides = [1, 1]} : vector<256x1024xi32> to vector<256x128xi32>
    %select_n3A_133 = arith.select %eq3A_131, %slice3A_132, %select_n3A_129 : vector<256x128xi1>, vector<256x128xi32>
    %slice3A_134 = vector.extract_strided_slice %sub3A_96 {offsets = [0, 256], sizes = [256, 128], strides = [1, 1]} : vector<256x1024xf32> to vector<256x128xf32>
    %eq3A_135 = arith.cmpf oeq, %slice3A_134, %min3A_111 : vector<256x128xf32>
    %slice3A_136 = vector.extract_strided_slice %iota3A {offsets = [0, 256], sizes = [256, 128], strides = [1, 1]} : vector<256x1024xi32> to vector<256x128xi32>
    %select_n3A_137 = arith.select %eq3A_135, %slice3A_136, %select_n3A_133 : vector<256x128xi1>, vector<256x128xi32>
    %slice3A_138 = vector.extract_strided_slice %sub3A_96 {offsets = [0, 128], sizes = [256, 128], strides = [1, 1]} : vector<256x1024xf32> to vector<256x128xf32>
    %eq3A_139 = arith.cmpf oeq, %slice3A_138, %min3A_111 : vector<256x128xf32>
    %slice3A_140 = vector.extract_strided_slice %iota3A {offsets = [0, 128], sizes = [256, 128], strides = [1, 1]} : vector<256x1024xi32> to vector<256x128xi32>
    %select_n3A_141 = arith.select %eq3A_139, %slice3A_140, %select_n3A_137 : vector<256x128xi1>, vector<256x128xi32>
    %slice3A_142 = vector.extract_strided_slice %sub3A_96 {offsets = [0, 0], sizes = [256, 128], strides = [1, 1]} : vector<256x1024xf32> to vector<256x128xf32>
    %eq3A_143 = arith.cmpf oeq, %slice3A_142, %min3A_111 : vector<256x128xf32>
    %slice3A_144 = vector.extract_strided_slice %iota3A {offsets = [0, 0], sizes = [256, 128], strides = [1, 1]} : vector<256x1024xi32> to vector<256x128xi32>
    %select_n3A_145 = arith.select %eq3A_143, %slice3A_144, %select_n3A_141 : vector<256x128xi1>, vector<256x128xi32>
    %reduce_min3A_146 = arith.constant dense<0x7F800000> : vector<256xf32>
    %reduce_min3A_147 = vector.multi_reduction <minimumf>, %min3A_111, %reduce_min3A_146 [1] : vector<256x128xf32> to vector<256xf32>
    %broadcast_in_dim3A_148 = vector.shape_cast %reduce_min3A_147 : vector<256xf32> to vector<256x1xf32>
    %eq3A_149 = vector.broadcast %broadcast_in_dim3A_148 : vector<256x1xf32> to vector<256x128xf32>
    %eq3A_150 = arith.cmpf oeq, %min3A_111, %eq3A_149 : vector<256x128xf32>
    %jit3A_151 = arith.constant 1073741824 : i32
    %broadcast_in_dim3A_152 = vector.broadcast %jit3A_151 : i32 to vector<256x128xi32>
    %select_n3A_153 = arith.select %eq3A_150, %select_n3A_145, %broadcast_in_dim3A_152 : vector<256x128xi1>, vector<256x128xi32>
    %reduce_min3A_154 = arith.constant dense<2147483647> : vector<256xi32>
    %reduce_min3A_155 = vector.multi_reduction <minsi>, %select_n3A_153, %reduce_min3A_154 [1] : vector<256x128xi32> to vector<256xi32>
    %add3A_156 = arith.constant 1024 : i32
    %add3A_157 = vector.broadcast %add3A_156 : i32 to vector<256xi32>
    %add3A_158 = arith.addi %reduce_min3A_155, %add3A_157 : vector<256xi32>
    %lt3A_159 = arith.cmpf olt, %reduce_min3A_147, %select_n3A_79 : vector<256xf32>
    %select_n3A_160 = arith.select %lt3A_159, %reduce_min3A_147, %select_n3A_79 : vector<256xi1>, vector<256xf32>
    %select_n3A_161 = arith.select %lt3A_159, %add3A_158, %select_n3A_80 : vector<256xi1>, vector<256xi32>
    %get3A_162 = arith.constant 2048 : index
    %get3A_163 = arith.constant 0 : index
    %get3A_164 = vector.load %arg2[%get3A_162, %get3A_163] : memref<8192x256xf32, #tpu.memory_space<vmem>>, vector<1024x256xf32>
    %dot_general3A_165 = arith.constant dense<0.000000e+00> : vector<256x1024xf32>
    %dot_general3A_166 = tpu.matmul %get3A_1, %get3A_164, %dot_general3A_165 {dimension_numbers = #tpu.dot_dimension_numbers<[1], [1], [0], [0], [0, 0, 1, 0], [], []>, transpose_lhs_hint = false} : vector<256x256xf32>, vector<1024x256xf32>, vector<256x1024xf32> -> vector<256x1024xf32>
    %get3A_167 = arith.constant 0 : index
    %get3A_168 = arith.constant 0 : index
    %get3A_169 = arith.constant 2048 : index
    %get3A_170 = vector.load %arg4[%get3A_167, %get3A_168, %get3A_169] : memref<1x1x8192xf32, #tpu.memory_space<vmem>>, vector<1x1x1024xf32>
    %get3A_171 = vector.shape_cast %get3A_170 : vector<1x1x1024xf32> to vector<1024xf32>
    %broadcast_in_dim3A_172 = vector.shape_cast %get3A_6 : vector<256xf32> to vector<256x1xf32>
    %broadcast_in_dim3A_173 = vector.shape_cast %get3A_171 : vector<1024xf32> to vector<1x1024xf32>
    %add3A_174 = vector.broadcast %broadcast_in_dim3A_172 : vector<256x1xf32> to vector<256x1024xf32>
    %add3A_175 = vector.broadcast %broadcast_in_dim3A_173 : vector<1x1024xf32> to vector<256x1024xf32>
    %add3A_176 = arith.addf %add3A_174, %add3A_175 : vector<256x1024xf32>
    %sub3A_177 = arith.subf %add3A_176, %dot_general3A_166 : vector<256x1024xf32>
    %slice3A_178 = vector.extract_strided_slice %sub3A_177 {offsets = [0, 0], sizes = [256, 128], strides = [1, 1]} : vector<256x1024xf32> to vector<256x128xf32>
    %slice3A_179 = vector.extract_strided_slice %sub3A_177 {offsets = [0, 128], sizes = [256, 128], strides = [1, 1]} : vector<256x1024xf32> to vector<256x128xf32>
    %min3A_180 = arith.minimumf %slice3A_178, %slice3A_179 : vector<256x128xf32>
    %slice3A_181 = vector.extract_strided_slice %sub3A_177 {offsets = [0, 256], sizes = [256, 128], strides = [1, 1]} : vector<256x1024xf32> to vector<256x128xf32>
    %min3A_182 = arith.minimumf %min3A_180, %slice3A_181 : vector<256x128xf32>
    %slice3A_183 = vector.extract_strided_slice %sub3A_177 {offsets = [0, 384], sizes = [256, 128], strides = [1, 1]} : vector<256x1024xf32> to vector<256x128xf32>
    %min3A_184 = arith.minimumf %min3A_182, %slice3A_183 : vector<256x128xf32>
    %slice3A_185 = vector.extract_strided_slice %sub3A_177 {offsets = [0, 512], sizes = [256, 128], strides = [1, 1]} : vector<256x1024xf32> to vector<256x128xf32>
    %min3A_186 = arith.minimumf %min3A_184, %slice3A_185 : vector<256x128xf32>
    %slice3A_187 = vector.extract_strided_slice %sub3A_177 {offsets = [0, 640], sizes = [256, 128], strides = [1, 1]} : vector<256x1024xf32> to vector<256x128xf32>
    %min3A_188 = arith.minimumf %min3A_186, %slice3A_187 : vector<256x128xf32>
    %slice3A_189 = vector.extract_strided_slice %sub3A_177 {offsets = [0, 768], sizes = [256, 128], strides = [1, 1]} : vector<256x1024xf32> to vector<256x128xf32>
    %min3A_190 = arith.minimumf %min3A_188, %slice3A_189 : vector<256x128xf32>
    %slice3A_191 = vector.extract_strided_slice %sub3A_177 {offsets = [0, 896], sizes = [256, 128], strides = [1, 1]} : vector<256x1024xf32> to vector<256x128xf32>
    %min3A_192 = arith.minimumf %min3A_190, %slice3A_191 : vector<256x128xf32>
    %broadcast_in_dim3A_193 = arith.constant 1073741824 : i32
    %broadcast_in_dim3A_194 = vector.broadcast %broadcast_in_dim3A_193 : i32 to vector<256x128xi32>
    %slice3A_195 = vector.extract_strided_slice %sub3A_177 {offsets = [0, 896], sizes = [256, 128], strides = [1, 1]} : vector<256x1024xf32> to vector<256x128xf32>
    %eq3A_196 = arith.cmpf oeq, %slice3A_195, %min3A_192 : vector<256x128xf32>
    %slice3A_197 = vector.extract_strided_slice %iota3A {offsets = [0, 896], sizes = [256, 128], strides = [1, 1]} : vector<256x1024xi32> to vector<256x128xi32>
    %select_n3A_198 = arith.select %eq3A_196, %slice3A_197, %broadcast_in_dim3A_194 : vector<256x128xi1>, vector<256x128xi32>
    %slice3A_199 = vector.extract_strided_slice %sub3A_177 {offsets = [0, 768], sizes = [256, 128], strides = [1, 1]} : vector<256x1024xf32> to vector<256x128xf32>
    %eq3A_200 = arith.cmpf oeq, %slice3A_199, %min3A_192 : vector<256x128xf32>
    %slice3A_201 = vector.extract_strided_slice %iota3A {offsets = [0, 768], sizes = [256, 128], strides = [1, 1]} : vector<256x1024xi32> to vector<256x128xi32>
    %select_n3A_202 = arith.select %eq3A_200, %slice3A_201, %select_n3A_198 : vector<256x128xi1>, vector<256x128xi32>
    %slice3A_203 = vector.extract_strided_slice %sub3A_177 {offsets = [0, 640], sizes = [256, 128], strides = [1, 1]} : vector<256x1024xf32> to vector<256x128xf32>
    %eq3A_204 = arith.cmpf oeq, %slice3A_203, %min3A_192 : vector<256x128xf32>
    %slice3A_205 = vector.extract_strided_slice %iota3A {offsets = [0, 640], sizes = [256, 128], strides = [1, 1]} : vector<256x1024xi32> to vector<256x128xi32>
    %select_n3A_206 = arith.select %eq3A_204, %slice3A_205, %select_n3A_202 : vector<256x128xi1>, vector<256x128xi32>
    %slice3A_207 = vector.extract_strided_slice %sub3A_177 {offsets = [0, 512], sizes = [256, 128], strides = [1, 1]} : vector<256x1024xf32> to vector<256x128xf32>
    %eq3A_208 = arith.cmpf oeq, %slice3A_207, %min3A_192 : vector<256x128xf32>
    %slice3A_209 = vector.extract_strided_slice %iota3A {offsets = [0, 512], sizes = [256, 128], strides = [1, 1]} : vector<256x1024xi32> to vector<256x128xi32>
    %select_n3A_210 = arith.select %eq3A_208, %slice3A_209, %select_n3A_206 : vector<256x128xi1>, vector<256x128xi32>
    %slice3A_211 = vector.extract_strided_slice %sub3A_177 {offsets = [0, 384], sizes = [256, 128], strides = [1, 1]} : vector<256x1024xf32> to vector<256x128xf32>
    %eq3A_212 = arith.cmpf oeq, %slice3A_211, %min3A_192 : vector<256x128xf32>
    %slice3A_213 = vector.extract_strided_slice %iota3A {offsets = [0, 384], sizes = [256, 128], strides = [1, 1]} : vector<256x1024xi32> to vector<256x128xi32>
    %select_n3A_214 = arith.select %eq3A_212, %slice3A_213, %select_n3A_210 : vector<256x128xi1>, vector<256x128xi32>
    %slice3A_215 = vector.extract_strided_slice %sub3A_177 {offsets = [0, 256], sizes = [256, 128], strides = [1, 1]} : vector<256x1024xf32> to vector<256x128xf32>
    %eq3A_216 = arith.cmpf oeq, %slice3A_215, %min3A_192 : vector<256x128xf32>
    %slice3A_217 = vector.extract_strided_slice %iota3A {offsets = [0, 256], sizes = [256, 128], strides = [1, 1]} : vector<256x1024xi32> to vector<256x128xi32>
    %select_n3A_218 = arith.select %eq3A_216, %slice3A_217, %select_n3A_214 : vector<256x128xi1>, vector<256x128xi32>
    %slice3A_219 = vector.extract_strided_slice %sub3A_177 {offsets = [0, 128], sizes = [256, 128], strides = [1, 1]} : vector<256x1024xf32> to vector<256x128xf32>
    %eq3A_220 = arith.cmpf oeq, %slice3A_219, %min3A_192 : vector<256x128xf32>
    %slice3A_221 = vector.extract_strided_slice %iota3A {offsets = [0, 128], sizes = [256, 128], strides = [1, 1]} : vector<256x1024xi32> to vector<256x128xi32>
    %select_n3A_222 = arith.select %eq3A_220, %slice3A_221, %select_n3A_218 : vector<256x128xi1>, vector<256x128xi32>
    %slice3A_223 = vector.extract_strided_slice %sub3A_177 {offsets = [0, 0], sizes = [256, 128], strides = [1, 1]} : vector<256x1024xf32> to vector<256x128xf32>
    %eq3A_224 = arith.cmpf oeq, %slice3A_223, %min3A_192 : vector<256x128xf32>
    %slice3A_225 = vector.extract_strided_slice %iota3A {offsets = [0, 0], sizes = [256, 128], strides = [1, 1]} : vector<256x1024xi32> to vector<256x128xi32>
    %select_n3A_226 = arith.select %eq3A_224, %slice3A_225, %select_n3A_222 : vector<256x128xi1>, vector<256x128xi32>
    %reduce_min3A_227 = arith.constant dense<0x7F800000> : vector<256xf32>
    %reduce_min3A_228 = vector.multi_reduction <minimumf>, %min3A_192, %reduce_min3A_227 [1] : vector<256x128xf32> to vector<256xf32>
    %broadcast_in_dim3A_229 = vector.shape_cast %reduce_min3A_228 : vector<256xf32> to vector<256x1xf32>
    %eq3A_230 = vector.broadcast %broadcast_in_dim3A_229 : vector<256x1xf32> to vector<256x128xf32>
    %eq3A_231 = arith.cmpf oeq, %min3A_192, %eq3A_230 : vector<256x128xf32>
    %jit3A_232 = arith.constant 1073741824 : i32
    %broadcast_in_dim3A_233 = vector.broadcast %jit3A_232 : i32 to vector<256x128xi32>
    %select_n3A_234 = arith.select %eq3A_231, %select_n3A_226, %broadcast_in_dim3A_233 : vector<256x128xi1>, vector<256x128xi32>
    %reduce_min3A_235 = arith.constant dense<2147483647> : vector<256xi32>
    %reduce_min3A_236 = vector.multi_reduction <minsi>, %select_n3A_234, %reduce_min3A_235 [1] : vector<256x128xi32> to vector<256xi32>
    %add3A_237 = arith.constant 2048 : i32
    %add3A_238 = vector.broadcast %add3A_237 : i32 to vector<256xi32>
    %add3A_239 = arith.addi %reduce_min3A_236, %add3A_238 : vector<256xi32>
    %lt3A_240 = arith.cmpf olt, %reduce_min3A_228, %select_n3A_160 : vector<256xf32>
    %select_n3A_241 = arith.select %lt3A_240, %reduce_min3A_228, %select_n3A_160 : vector<256xi1>, vector<256xf32>
    %select_n3A_242 = arith.select %lt3A_240, %add3A_239, %select_n3A_161 : vector<256xi1>, vector<256xi32>
    %get3A_243 = arith.constant 3072 : index
    %get3A_244 = arith.constant 0 : index
    %get3A_245 = vector.load %arg2[%get3A_243, %get3A_244] : memref<8192x256xf32, #tpu.memory_space<vmem>>, vector<1024x256xf32>
    %dot_general3A_246 = arith.constant dense<0.000000e+00> : vector<256x1024xf32>
    %dot_general3A_247 = tpu.matmul %get3A_1, %get3A_245, %dot_general3A_246 {dimension_numbers = #tpu.dot_dimension_numbers<[1], [1], [0], [0], [0, 0, 1, 0], [], []>, transpose_lhs_hint = false} : vector<256x256xf32>, vector<1024x256xf32>, vector<256x1024xf32> -> vector<256x1024xf32>
    %get3A_248 = arith.constant 0 : index
    %get3A_249 = arith.constant 0 : index
    %get3A_250 = arith.constant 3072 : index
    %get3A_251 = vector.load %arg4[%get3A_248, %get3A_249, %get3A_250] : memref<1x1x8192xf32, #tpu.memory_space<vmem>>, vector<1x1x1024xf32>
    %get3A_252 = vector.shape_cast %get3A_251 : vector<1x1x1024xf32> to vector<1024xf32>
    %broadcast_in_dim3A_253 = vector.shape_cast %get3A_6 : vector<256xf32> to vector<256x1xf32>
    %broadcast_in_dim3A_254 = vector.shape_cast %get3A_252 : vector<1024xf32> to vector<1x1024xf32>
    %add3A_255 = vector.broadcast %broadcast_in_dim3A_253 : vector<256x1xf32> to vector<256x1024xf32>
    %add3A_256 = vector.broadcast %broadcast_in_dim3A_254 : vector<1x1024xf32> to vector<256x1024xf32>
    %add3A_257 = arith.addf %add3A_255, %add3A_256 : vector<256x1024xf32>
    %sub3A_258 = arith.subf %add3A_257, %dot_general3A_247 : vector<256x1024xf32>
    %slice3A_259 = vector.extract_strided_slice %sub3A_258 {offsets = [0, 0], sizes = [256, 128], strides = [1, 1]} : vector<256x1024xf32> to vector<256x128xf32>
    %slice3A_260 = vector.extract_strided_slice %sub3A_258 {offsets = [0, 128], sizes = [256, 128], strides = [1, 1]} : vector<256x1024xf32> to vector<256x128xf32>
    %min3A_261 = arith.minimumf %slice3A_259, %slice3A_260 : vector<256x128xf32>
    %slice3A_262 = vector.extract_strided_slice %sub3A_258 {offsets = [0, 256], sizes = [256, 128], strides = [1, 1]} : vector<256x1024xf32> to vector<256x128xf32>
    %min3A_263 = arith.minimumf %min3A_261, %slice3A_262 : vector<256x128xf32>
    %slice3A_264 = vector.extract_strided_slice %sub3A_258 {offsets = [0, 384], sizes = [256, 128], strides = [1, 1]} : vector<256x1024xf32> to vector<256x128xf32>
    %min3A_265 = arith.minimumf %min3A_263, %slice3A_264 : vector<256x128xf32>
    %slice3A_266 = vector.extract_strided_slice %sub3A_258 {offsets = [0, 512], sizes = [256, 128], strides = [1, 1]} : vector<256x1024xf32> to vector<256x128xf32>
    %min3A_267 = arith.minimumf %min3A_265, %slice3A_266 : vector<256x128xf32>
    %slice3A_268 = vector.extract_strided_slice %sub3A_258 {offsets = [0, 640], sizes = [256, 128], strides = [1, 1]} : vector<256x1024xf32> to vector<256x128xf32>
    %min3A_269 = arith.minimumf %min3A_267, %slice3A_268 : vector<256x128xf32>
    %slice3A_270 = vector.extract_strided_slice %sub3A_258 {offsets = [0, 768], sizes = [256, 128], strides = [1, 1]} : vector<256x1024xf32> to vector<256x128xf32>
    %min3A_271 = arith.minimumf %min3A_269, %slice3A_270 : vector<256x128xf32>
    %slice3A_272 = vector.extract_strided_slice %sub3A_258 {offsets = [0, 896], sizes = [256, 128], strides = [1, 1]} : vector<256x1024xf32> to vector<256x128xf32>
    %min3A_273 = arith.minimumf %min3A_271, %slice3A_272 : vector<256x128xf32>
    %broadcast_in_dim3A_274 = arith.constant 1073741824 : i32
    %broadcast_in_dim3A_275 = vector.broadcast %broadcast_in_dim3A_274 : i32 to vector<256x128xi32>
    %slice3A_276 = vector.extract_strided_slice %sub3A_258 {offsets = [0, 896], sizes = [256, 128], strides = [1, 1]} : vector<256x1024xf32> to vector<256x128xf32>
    %eq3A_277 = arith.cmpf oeq, %slice3A_276, %min3A_273 : vector<256x128xf32>
    %slice3A_278 = vector.extract_strided_slice %iota3A {offsets = [0, 896], sizes = [256, 128], strides = [1, 1]} : vector<256x1024xi32> to vector<256x128xi32>
    %select_n3A_279 = arith.select %eq3A_277, %slice3A_278, %broadcast_in_dim3A_275 : vector<256x128xi1>, vector<256x128xi32>
    %slice3A_280 = vector.extract_strided_slice %sub3A_258 {offsets = [0, 768], sizes = [256, 128], strides = [1, 1]} : vector<256x1024xf32> to vector<256x128xf32>
    %eq3A_281 = arith.cmpf oeq, %slice3A_280, %min3A_273 : vector<256x128xf32>
    %slice3A_282 = vector.extract_strided_slice %iota3A {offsets = [0, 768], sizes = [256, 128], strides = [1, 1]} : vector<256x1024xi32> to vector<256x128xi32>
    %select_n3A_283 = arith.select %eq3A_281, %slice3A_282, %select_n3A_279 : vector<256x128xi1>, vector<256x128xi32>
    %slice3A_284 = vector.extract_strided_slice %sub3A_258 {offsets = [0, 640], sizes = [256, 128], strides = [1, 1]} : vector<256x1024xf32> to vector<256x128xf32>
    %eq3A_285 = arith.cmpf oeq, %slice3A_284, %min3A_273 : vector<256x128xf32>
    %slice3A_286 = vector.extract_strided_slice %iota3A {offsets = [0, 640], sizes = [256, 128], strides = [1, 1]} : vector<256x1024xi32> to vector<256x128xi32>
    %select_n3A_287 = arith.select %eq3A_285, %slice3A_286, %select_n3A_283 : vector<256x128xi1>, vector<256x128xi32>
    %slice3A_288 = vector.extract_strided_slice %sub3A_258 {offsets = [0, 512], sizes = [256, 128], strides = [1, 1]} : vector<256x1024xf32> to vector<256x128xf32>
    %eq3A_289 = arith.cmpf oeq, %slice3A_288, %min3A_273 : vector<256x128xf32>
    %slice3A_290 = vector.extract_strided_slice %iota3A {offsets = [0, 512], sizes = [256, 128], strides = [1, 1]} : vector<256x1024xi32> to vector<256x128xi32>
    %select_n3A_291 = arith.select %eq3A_289, %slice3A_290, %select_n3A_287 : vector<256x128xi1>, vector<256x128xi32>
    %slice3A_292 = vector.extract_strided_slice %sub3A_258 {offsets = [0, 384], sizes = [256, 128], strides = [1, 1]} : vector<256x1024xf32> to vector<256x128xf32>
    %eq3A_293 = arith.cmpf oeq, %slice3A_292, %min3A_273 : vector<256x128xf32>
    %slice3A_294 = vector.extract_strided_slice %iota3A {offsets = [0, 384], sizes = [256, 128], strides = [1, 1]} : vector<256x1024xi32> to vector<256x128xi32>
    %select_n3A_295 = arith.select %eq3A_293, %slice3A_294, %select_n3A_291 : vector<256x128xi1>, vector<256x128xi32>
    %slice3A_296 = vector.extract_strided_slice %sub3A_258 {offsets = [0, 256], sizes = [256, 128], strides = [1, 1]} : vector<256x1024xf32> to vector<256x128xf32>
    %eq3A_297 = arith.cmpf oeq, %slice3A_296, %min3A_273 : vector<256x128xf32>
    %slice3A_298 = vector.extract_strided_slice %iota3A {offsets = [0, 256], sizes = [256, 128], strides = [1, 1]} : vector<256x1024xi32> to vector<256x128xi32>
    %select_n3A_299 = arith.select %eq3A_297, %slice3A_298, %select_n3A_295 : vector<256x128xi1>, vector<256x128xi32>
    %slice3A_300 = vector.extract_strided_slice %sub3A_258 {offsets = [0, 128], sizes = [256, 128], strides = [1, 1]} : vector<256x1024xf32> to vector<256x128xf32>
    %eq3A_301 = arith.cmpf oeq, %slice3A_300, %min3A_273 : vector<256x128xf32>
    %slice3A_302 = vector.extract_strided_slice %iota3A {offsets = [0, 128], sizes = [256, 128], strides = [1, 1]} : vector<256x1024xi32> to vector<256x128xi32>
    %select_n3A_303 = arith.select %eq3A_301, %slice3A_302, %select_n3A_299 : vector<256x128xi1>, vector<256x128xi32>
    %slice3A_304 = vector.extract_strided_slice %sub3A_258 {offsets = [0, 0], sizes = [256, 128], strides = [1, 1]} : vector<256x1024xf32> to vector<256x128xf32>
    %eq3A_305 = arith.cmpf oeq, %slice3A_304, %min3A_273 : vector<256x128xf32>
    %slice3A_306 = vector.extract_strided_slice %iota3A {offsets = [0, 0], sizes = [256, 128], strides = [1, 1]} : vector<256x1024xi32> to vector<256x128xi32>
    %select_n3A_307 = arith.select %eq3A_305, %slice3A_306, %select_n3A_303 : vector<256x128xi1>, vector<256x128xi32>
    %reduce_min3A_308 = arith.constant dense<0x7F800000> : vector<256xf32>
    %reduce_min3A_309 = vector.multi_reduction <minimumf>, %min3A_273, %reduce_min3A_308 [1] : vector<256x128xf32> to vector<256xf32>
    %broadcast_in_dim3A_310 = vector.shape_cast %reduce_min3A_309 : vector<256xf32> to vector<256x1xf32>
    %eq3A_311 = vector.broadcast %broadcast_in_dim3A_310 : vector<256x1xf32> to vector<256x128xf32>
    %eq3A_312 = arith.cmpf oeq, %min3A_273, %eq3A_311 : vector<256x128xf32>
    %jit3A_313 = arith.constant 1073741824 : i32
    %broadcast_in_dim3A_314 = vector.broadcast %jit3A_313 : i32 to vector<256x128xi32>
    %select_n3A_315 = arith.select %eq3A_312, %select_n3A_307, %broadcast_in_dim3A_314 : vector<256x128xi1>, vector<256x128xi32>
    %reduce_min3A_316 = arith.constant dense<2147483647> : vector<256xi32>
    %reduce_min3A_317 = vector.multi_reduction <minsi>, %select_n3A_315, %reduce_min3A_316 [1] : vector<256x128xi32> to vector<256xi32>
    %add3A_318 = arith.constant 3072 : i32
    %add3A_319 = vector.broadcast %add3A_318 : i32 to vector<256xi32>
    %add3A_320 = arith.addi %reduce_min3A_317, %add3A_319 : vector<256xi32>
    %lt3A_321 = arith.cmpf olt, %reduce_min3A_309, %select_n3A_241 : vector<256xf32>
    %select_n3A_322 = arith.select %lt3A_321, %reduce_min3A_309, %select_n3A_241 : vector<256xi1>, vector<256xf32>
    %select_n3A_323 = arith.select %lt3A_321, %add3A_320, %select_n3A_242 : vector<256xi1>, vector<256xi32>
    %broadcast_in_dim3A_324 = arith.constant 0x7F800000 : f32
    %broadcast_in_dim3A_325 = vector.broadcast %broadcast_in_dim3A_324 : f32 to vector<256xf32>
    %broadcast_in_dim3A_326 = arith.constant 0 : i32
    %broadcast_in_dim3A_327 = vector.broadcast %broadcast_in_dim3A_326 : i32 to vector<256xi32>
    %get3A_328 = arith.constant 4096 : index
    %get3A_329 = arith.constant 0 : index
    %get3A_330 = vector.load %arg2[%get3A_328, %get3A_329] : memref<8192x256xf32, #tpu.memory_space<vmem>>, vector<1024x256xf32>
    %dot_general3A_331 = arith.constant dense<0.000000e+00> : vector<256x1024xf32>
    %dot_general3A_332 = tpu.matmul %get3A_1, %get3A_330, %dot_general3A_331 {dimension_numbers = #tpu.dot_dimension_numbers<[1], [1], [0], [0], [0, 0, 1, 0], [], []>, transpose_lhs_hint = false} : vector<256x256xf32>, vector<1024x256xf32>, vector<256x1024xf32> -> vector<256x1024xf32>
    %get3A_333 = arith.constant 0 : index
    %get3A_334 = arith.constant 0 : index
    %get3A_335 = arith.constant 4096 : index
    %get3A_336 = vector.load %arg4[%get3A_333, %get3A_334, %get3A_335] : memref<1x1x8192xf32, #tpu.memory_space<vmem>>, vector<1x1x1024xf32>
    %get3A_337 = vector.shape_cast %get3A_336 : vector<1x1x1024xf32> to vector<1024xf32>
    %broadcast_in_dim3A_338 = vector.shape_cast %get3A_6 : vector<256xf32> to vector<256x1xf32>
    %broadcast_in_dim3A_339 = vector.shape_cast %get3A_337 : vector<1024xf32> to vector<1x1024xf32>
    %add3A_340 = vector.broadcast %broadcast_in_dim3A_338 : vector<256x1xf32> to vector<256x1024xf32>
    %add3A_341 = vector.broadcast %broadcast_in_dim3A_339 : vector<1x1024xf32> to vector<256x1024xf32>
    %add3A_342 = arith.addf %add3A_340, %add3A_341 : vector<256x1024xf32>
    %sub3A_343 = arith.subf %add3A_342, %dot_general3A_332 : vector<256x1024xf32>
    %slice3A_344 = vector.extract_strided_slice %sub3A_343 {offsets = [0, 0], sizes = [256, 128], strides = [1, 1]} : vector<256x1024xf32> to vector<256x128xf32>
    %slice3A_345 = vector.extract_strided_slice %sub3A_343 {offsets = [0, 128], sizes = [256, 128], strides = [1, 1]} : vector<256x1024xf32> to vector<256x128xf32>
    %min3A_346 = arith.minimumf %slice3A_344, %slice3A_345 : vector<256x128xf32>
    %slice3A_347 = vector.extract_strided_slice %sub3A_343 {offsets = [0, 256], sizes = [256, 128], strides = [1, 1]} : vector<256x1024xf32> to vector<256x128xf32>
    %min3A_348 = arith.minimumf %min3A_346, %slice3A_347 : vector<256x128xf32>
    %slice3A_349 = vector.extract_strided_slice %sub3A_343 {offsets = [0, 384], sizes = [256, 128], strides = [1, 1]} : vector<256x1024xf32> to vector<256x128xf32>
    %min3A_350 = arith.minimumf %min3A_348, %slice3A_349 : vector<256x128xf32>
    %slice3A_351 = vector.extract_strided_slice %sub3A_343 {offsets = [0, 512], sizes = [256, 128], strides = [1, 1]} : vector<256x1024xf32> to vector<256x128xf32>
    %min3A_352 = arith.minimumf %min3A_350, %slice3A_351 : vector<256x128xf32>
    %slice3A_353 = vector.extract_strided_slice %sub3A_343 {offsets = [0, 640], sizes = [256, 128], strides = [1, 1]} : vector<256x1024xf32> to vector<256x128xf32>
    %min3A_354 = arith.minimumf %min3A_352, %slice3A_353 : vector<256x128xf32>
    %slice3A_355 = vector.extract_strided_slice %sub3A_343 {offsets = [0, 768], sizes = [256, 128], strides = [1, 1]} : vector<256x1024xf32> to vector<256x128xf32>
    %min3A_356 = arith.minimumf %min3A_354, %slice3A_355 : vector<256x128xf32>
    %slice3A_357 = vector.extract_strided_slice %sub3A_343 {offsets = [0, 896], sizes = [256, 128], strides = [1, 1]} : vector<256x1024xf32> to vector<256x128xf32>
    %min3A_358 = arith.minimumf %min3A_356, %slice3A_357 : vector<256x128xf32>
    %broadcast_in_dim3A_359 = arith.constant 1073741824 : i32
    %broadcast_in_dim3A_360 = vector.broadcast %broadcast_in_dim3A_359 : i32 to vector<256x128xi32>
    %slice3A_361 = vector.extract_strided_slice %sub3A_343 {offsets = [0, 896], sizes = [256, 128], strides = [1, 1]} : vector<256x1024xf32> to vector<256x128xf32>
    %eq3A_362 = arith.cmpf oeq, %slice3A_361, %min3A_358 : vector<256x128xf32>
    %slice3A_363 = vector.extract_strided_slice %iota3A {offsets = [0, 896], sizes = [256, 128], strides = [1, 1]} : vector<256x1024xi32> to vector<256x128xi32>
    %select_n3A_364 = arith.select %eq3A_362, %slice3A_363, %broadcast_in_dim3A_360 : vector<256x128xi1>, vector<256x128xi32>
    %slice3A_365 = vector.extract_strided_slice %sub3A_343 {offsets = [0, 768], sizes = [256, 128], strides = [1, 1]} : vector<256x1024xf32> to vector<256x128xf32>
    %eq3A_366 = arith.cmpf oeq, %slice3A_365, %min3A_358 : vector<256x128xf32>
    %slice3A_367 = vector.extract_strided_slice %iota3A {offsets = [0, 768], sizes = [256, 128], strides = [1, 1]} : vector<256x1024xi32> to vector<256x128xi32>
    %select_n3A_368 = arith.select %eq3A_366, %slice3A_367, %select_n3A_364 : vector<256x128xi1>, vector<256x128xi32>
    %slice3A_369 = vector.extract_strided_slice %sub3A_343 {offsets = [0, 640], sizes = [256, 128], strides = [1, 1]} : vector<256x1024xf32> to vector<256x128xf32>
    %eq3A_370 = arith.cmpf oeq, %slice3A_369, %min3A_358 : vector<256x128xf32>
    %slice3A_371 = vector.extract_strided_slice %iota3A {offsets = [0, 640], sizes = [256, 128], strides = [1, 1]} : vector<256x1024xi32> to vector<256x128xi32>
    %select_n3A_372 = arith.select %eq3A_370, %slice3A_371, %select_n3A_368 : vector<256x128xi1>, vector<256x128xi32>
    %slice3A_373 = vector.extract_strided_slice %sub3A_343 {offsets = [0, 512], sizes = [256, 128], strides = [1, 1]} : vector<256x1024xf32> to vector<256x128xf32>
    %eq3A_374 = arith.cmpf oeq, %slice3A_373, %min3A_358 : vector<256x128xf32>
    %slice3A_375 = vector.extract_strided_slice %iota3A {offsets = [0, 512], sizes = [256, 128], strides = [1, 1]} : vector<256x1024xi32> to vector<256x128xi32>
    %select_n3A_376 = arith.select %eq3A_374, %slice3A_375, %select_n3A_372 : vector<256x128xi1>, vector<256x128xi32>
    %slice3A_377 = vector.extract_strided_slice %sub3A_343 {offsets = [0, 384], sizes = [256, 128], strides = [1, 1]} : vector<256x1024xf32> to vector<256x128xf32>
    %eq3A_378 = arith.cmpf oeq, %slice3A_377, %min3A_358 : vector<256x128xf32>
    %slice3A_379 = vector.extract_strided_slice %iota3A {offsets = [0, 384], sizes = [256, 128], strides = [1, 1]} : vector<256x1024xi32> to vector<256x128xi32>
    %select_n3A_380 = arith.select %eq3A_378, %slice3A_379, %select_n3A_376 : vector<256x128xi1>, vector<256x128xi32>
    %slice3A_381 = vector.extract_strided_slice %sub3A_343 {offsets = [0, 256], sizes = [256, 128], strides = [1, 1]} : vector<256x1024xf32> to vector<256x128xf32>
    %eq3A_382 = arith.cmpf oeq, %slice3A_381, %min3A_358 : vector<256x128xf32>
    %slice3A_383 = vector.extract_strided_slice %iota3A {offsets = [0, 256], sizes = [256, 128], strides = [1, 1]} : vector<256x1024xi32> to vector<256x128xi32>
    %select_n3A_384 = arith.select %eq3A_382, %slice3A_383, %select_n3A_380 : vector<256x128xi1>, vector<256x128xi32>
    %slice3A_385 = vector.extract_strided_slice %sub3A_343 {offsets = [0, 128], sizes = [256, 128], strides = [1, 1]} : vector<256x1024xf32> to vector<256x128xf32>
    %eq3A_386 = arith.cmpf oeq, %slice3A_385, %min3A_358 : vector<256x128xf32>
    %slice3A_387 = vector.extract_strided_slice %iota3A {offsets = [0, 128], sizes = [256, 128], strides = [1, 1]} : vector<256x1024xi32> to vector<256x128xi32>
    %select_n3A_388 = arith.select %eq3A_386, %slice3A_387, %select_n3A_384 : vector<256x128xi1>, vector<256x128xi32>
    %slice3A_389 = vector.extract_strided_slice %sub3A_343 {offsets = [0, 0], sizes = [256, 128], strides = [1, 1]} : vector<256x1024xf32> to vector<256x128xf32>
    %eq3A_390 = arith.cmpf oeq, %slice3A_389, %min3A_358 : vector<256x128xf32>
    %slice3A_391 = vector.extract_strided_slice %iota3A {offsets = [0, 0], sizes = [256, 128], strides = [1, 1]} : vector<256x1024xi32> to vector<256x128xi32>
    %select_n3A_392 = arith.select %eq3A_390, %slice3A_391, %select_n3A_388 : vector<256x128xi1>, vector<256x128xi32>
    %reduce_min3A_393 = arith.constant dense<0x7F800000> : vector<256xf32>
    %reduce_min3A_394 = vector.multi_reduction <minimumf>, %min3A_358, %reduce_min3A_393 [1] : vector<256x128xf32> to vector<256xf32>
    %broadcast_in_dim3A_395 = vector.shape_cast %reduce_min3A_394 : vector<256xf32> to vector<256x1xf32>
    %eq3A_396 = vector.broadcast %broadcast_in_dim3A_395 : vector<256x1xf32> to vector<256x128xf32>
    %eq3A_397 = arith.cmpf oeq, %min3A_358, %eq3A_396 : vector<256x128xf32>
    %jit3A_398 = arith.constant 1073741824 : i32
    %broadcast_in_dim3A_399 = vector.broadcast %jit3A_398 : i32 to vector<256x128xi32>
    %select_n3A_400 = arith.select %eq3A_397, %select_n3A_392, %broadcast_in_dim3A_399 : vector<256x128xi1>, vector<256x128xi32>
    %reduce_min3A_401 = arith.constant dense<2147483647> : vector<256xi32>
    %reduce_min3A_402 = vector.multi_reduction <minsi>, %select_n3A_400, %reduce_min3A_401 [1] : vector<256x128xi32> to vector<256xi32>
    %add3A_403 = arith.constant 4096 : i32
    %add3A_404 = vector.broadcast %add3A_403 : i32 to vector<256xi32>
    %add3A_405 = arith.addi %reduce_min3A_402, %add3A_404 : vector<256xi32>
    %lt3A_406 = arith.cmpf olt, %reduce_min3A_394, %broadcast_in_dim3A_325 : vector<256xf32>
    %select_n3A_407 = arith.select %lt3A_406, %reduce_min3A_394, %broadcast_in_dim3A_325 : vector<256xi1>, vector<256xf32>
    %select_n3A_408 = arith.select %lt3A_406, %add3A_405, %broadcast_in_dim3A_327 : vector<256xi1>, vector<256xi32>
    %get3A_409 = arith.constant 5120 : index
    %get3A_410 = arith.constant 0 : index
    %get3A_411 = vector.load %arg2[%get3A_409, %get3A_410] : memref<8192x256xf32, #tpu.memory_space<vmem>>, vector<1024x256xf32>
    %dot_general3A_412 = arith.constant dense<0.000000e+00> : vector<256x1024xf32>
    %dot_general3A_413 = tpu.matmul %get3A_1, %get3A_411, %dot_general3A_412 {dimension_numbers = #tpu.dot_dimension_numbers<[1], [1], [0], [0], [0, 0, 1, 0], [], []>, transpose_lhs_hint = false} : vector<256x256xf32>, vector<1024x256xf32>, vector<256x1024xf32> -> vector<256x1024xf32>
    %get3A_414 = arith.constant 0 : index
    %get3A_415 = arith.constant 0 : index
    %get3A_416 = arith.constant 5120 : index
    %get3A_417 = vector.load %arg4[%get3A_414, %get3A_415, %get3A_416] : memref<1x1x8192xf32, #tpu.memory_space<vmem>>, vector<1x1x1024xf32>
    %get3A_418 = vector.shape_cast %get3A_417 : vector<1x1x1024xf32> to vector<1024xf32>
    %broadcast_in_dim3A_419 = vector.shape_cast %get3A_6 : vector<256xf32> to vector<256x1xf32>
    %broadcast_in_dim3A_420 = vector.shape_cast %get3A_418 : vector<1024xf32> to vector<1x1024xf32>
    %add3A_421 = vector.broadcast %broadcast_in_dim3A_419 : vector<256x1xf32> to vector<256x1024xf32>
    %add3A_422 = vector.broadcast %broadcast_in_dim3A_420 : vector<1x1024xf32> to vector<256x1024xf32>
    %add3A_423 = arith.addf %add3A_421, %add3A_422 : vector<256x1024xf32>
    %sub3A_424 = arith.subf %add3A_423, %dot_general3A_413 : vector<256x1024xf32>
    %slice3A_425 = vector.extract_strided_slice %sub3A_424 {offsets = [0, 0], sizes = [256, 128], strides = [1, 1]} : vector<256x1024xf32> to vector<256x128xf32>
    %slice3A_426 = vector.extract_strided_slice %sub3A_424 {offsets = [0, 128], sizes = [256, 128], strides = [1, 1]} : vector<256x1024xf32> to vector<256x128xf32>
    %min3A_427 = arith.minimumf %slice3A_425, %slice3A_426 : vector<256x128xf32>
    %slice3A_428 = vector.extract_strided_slice %sub3A_424 {offsets = [0, 256], sizes = [256, 128], strides = [1, 1]} : vector<256x1024xf32> to vector<256x128xf32>
    %min3A_429 = arith.minimumf %min3A_427, %slice3A_428 : vector<256x128xf32>
    %slice3A_430 = vector.extract_strided_slice %sub3A_424 {offsets = [0, 384], sizes = [256, 128], strides = [1, 1]} : vector<256x1024xf32> to vector<256x128xf32>
    %min3A_431 = arith.minimumf %min3A_429, %slice3A_430 : vector<256x128xf32>
    %slice3A_432 = vector.extract_strided_slice %sub3A_424 {offsets = [0, 512], sizes = [256, 128], strides = [1, 1]} : vector<256x1024xf32> to vector<256x128xf32>
    %min3A_433 = arith.minimumf %min3A_431, %slice3A_432 : vector<256x128xf32>
    %slice3A_434 = vector.extract_strided_slice %sub3A_424 {offsets = [0, 640], sizes = [256, 128], strides = [1, 1]} : vector<256x1024xf32> to vector<256x128xf32>
    %min3A_435 = arith.minimumf %min3A_433, %slice3A_434 : vector<256x128xf32>
    %slice3A_436 = vector.extract_strided_slice %sub3A_424 {offsets = [0, 768], sizes = [256, 128], strides = [1, 1]} : vector<256x1024xf32> to vector<256x128xf32>
    %min3A_437 = arith.minimumf %min3A_435, %slice3A_436 : vector<256x128xf32>
    %slice3A_438 = vector.extract_strided_slice %sub3A_424 {offsets = [0, 896], sizes = [256, 128], strides = [1, 1]} : vector<256x1024xf32> to vector<256x128xf32>
    %min3A_439 = arith.minimumf %min3A_437, %slice3A_438 : vector<256x128xf32>
    %broadcast_in_dim3A_440 = arith.constant 1073741824 : i32
    %broadcast_in_dim3A_441 = vector.broadcast %broadcast_in_dim3A_440 : i32 to vector<256x128xi32>
    %slice3A_442 = vector.extract_strided_slice %sub3A_424 {offsets = [0, 896], sizes = [256, 128], strides = [1, 1]} : vector<256x1024xf32> to vector<256x128xf32>
    %eq3A_443 = arith.cmpf oeq, %slice3A_442, %min3A_439 : vector<256x128xf32>
    %slice3A_444 = vector.extract_strided_slice %iota3A {offsets = [0, 896], sizes = [256, 128], strides = [1, 1]} : vector<256x1024xi32> to vector<256x128xi32>
    %select_n3A_445 = arith.select %eq3A_443, %slice3A_444, %broadcast_in_dim3A_441 : vector<256x128xi1>, vector<256x128xi32>
    %slice3A_446 = vector.extract_strided_slice %sub3A_424 {offsets = [0, 768], sizes = [256, 128], strides = [1, 1]} : vector<256x1024xf32> to vector<256x128xf32>
    %eq3A_447 = arith.cmpf oeq, %slice3A_446, %min3A_439 : vector<256x128xf32>
    %slice3A_448 = vector.extract_strided_slice %iota3A {offsets = [0, 768], sizes = [256, 128], strides = [1, 1]} : vector<256x1024xi32> to vector<256x128xi32>
    %select_n3A_449 = arith.select %eq3A_447, %slice3A_448, %select_n3A_445 : vector<256x128xi1>, vector<256x128xi32>
    %slice3A_450 = vector.extract_strided_slice %sub3A_424 {offsets = [0, 640], sizes = [256, 128], strides = [1, 1]} : vector<256x1024xf32> to vector<256x128xf32>
    %eq3A_451 = arith.cmpf oeq, %slice3A_450, %min3A_439 : vector<256x128xf32>
    %slice3A_452 = vector.extract_strided_slice %iota3A {offsets = [0, 640], sizes = [256, 128], strides = [1, 1]} : vector<256x1024xi32> to vector<256x128xi32>
    %select_n3A_453 = arith.select %eq3A_451, %slice3A_452, %select_n3A_449 : vector<256x128xi1>, vector<256x128xi32>
    %slice3A_454 = vector.extract_strided_slice %sub3A_424 {offsets = [0, 512], sizes = [256, 128], strides = [1, 1]} : vector<256x1024xf32> to vector<256x128xf32>
    %eq3A_455 = arith.cmpf oeq, %slice3A_454, %min3A_439 : vector<256x128xf32>
    %slice3A_456 = vector.extract_strided_slice %iota3A {offsets = [0, 512], sizes = [256, 128], strides = [1, 1]} : vector<256x1024xi32> to vector<256x128xi32>
    %select_n3A_457 = arith.select %eq3A_455, %slice3A_456, %select_n3A_453 : vector<256x128xi1>, vector<256x128xi32>
    %slice3A_458 = vector.extract_strided_slice %sub3A_424 {offsets = [0, 384], sizes = [256, 128], strides = [1, 1]} : vector<256x1024xf32> to vector<256x128xf32>
    %eq3A_459 = arith.cmpf oeq, %slice3A_458, %min3A_439 : vector<256x128xf32>
    %slice3A_460 = vector.extract_strided_slice %iota3A {offsets = [0, 384], sizes = [256, 128], strides = [1, 1]} : vector<256x1024xi32> to vector<256x128xi32>
    %select_n3A_461 = arith.select %eq3A_459, %slice3A_460, %select_n3A_457 : vector<256x128xi1>, vector<256x128xi32>
    %slice3A_462 = vector.extract_strided_slice %sub3A_424 {offsets = [0, 256], sizes = [256, 128], strides = [1, 1]} : vector<256x1024xf32> to vector<256x128xf32>
    %eq3A_463 = arith.cmpf oeq, %slice3A_462, %min3A_439 : vector<256x128xf32>
    %slice3A_464 = vector.extract_strided_slice %iota3A {offsets = [0, 256], sizes = [256, 128], strides = [1, 1]} : vector<256x1024xi32> to vector<256x128xi32>
    %select_n3A_465 = arith.select %eq3A_463, %slice3A_464, %select_n3A_461 : vector<256x128xi1>, vector<256x128xi32>
    %slice3A_466 = vector.extract_strided_slice %sub3A_424 {offsets = [0, 128], sizes = [256, 128], strides = [1, 1]} : vector<256x1024xf32> to vector<256x128xf32>
    %eq3A_467 = arith.cmpf oeq, %slice3A_466, %min3A_439 : vector<256x128xf32>
    %slice3A_468 = vector.extract_strided_slice %iota3A {offsets = [0, 128], sizes = [256, 128], strides = [1, 1]} : vector<256x1024xi32> to vector<256x128xi32>
    %select_n3A_469 = arith.select %eq3A_467, %slice3A_468, %select_n3A_465 : vector<256x128xi1>, vector<256x128xi32>
    %slice3A_470 = vector.extract_strided_slice %sub3A_424 {offsets = [0, 0], sizes = [256, 128], strides = [1, 1]} : vector<256x1024xf32> to vector<256x128xf32>
    %eq3A_471 = arith.cmpf oeq, %slice3A_470, %min3A_439 : vector<256x128xf32>
    %slice3A_472 = vector.extract_strided_slice %iota3A {offsets = [0, 0], sizes = [256, 128], strides = [1, 1]} : vector<256x1024xi32> to vector<256x128xi32>
    %select_n3A_473 = arith.select %eq3A_471, %slice3A_472, %select_n3A_469 : vector<256x128xi1>, vector<256x128xi32>
    %reduce_min3A_474 = arith.constant dense<0x7F800000> : vector<256xf32>
    %reduce_min3A_475 = vector.multi_reduction <minimumf>, %min3A_439, %reduce_min3A_474 [1] : vector<256x128xf32> to vector<256xf32>
    %broadcast_in_dim3A_476 = vector.shape_cast %reduce_min3A_475 : vector<256xf32> to vector<256x1xf32>
    %eq3A_477 = vector.broadcast %broadcast_in_dim3A_476 : vector<256x1xf32> to vector<256x128xf32>
    %eq3A_478 = arith.cmpf oeq, %min3A_439, %eq3A_477 : vector<256x128xf32>
    %jit3A_479 = arith.constant 1073741824 : i32
    %broadcast_in_dim3A_480 = vector.broadcast %jit3A_479 : i32 to vector<256x128xi32>
    %select_n3A_481 = arith.select %eq3A_478, %select_n3A_473, %broadcast_in_dim3A_480 : vector<256x128xi1>, vector<256x128xi32>
    %reduce_min3A_482 = arith.constant dense<2147483647> : vector<256xi32>
    %reduce_min3A_483 = vector.multi_reduction <minsi>, %select_n3A_481, %reduce_min3A_482 [1] : vector<256x128xi32> to vector<256xi32>
    %add3A_484 = arith.constant 5120 : i32
    %add3A_485 = vector.broadcast %add3A_484 : i32 to vector<256xi32>
    %add3A_486 = arith.addi %reduce_min3A_483, %add3A_485 : vector<256xi32>
    %lt3A_487 = arith.cmpf olt, %reduce_min3A_475, %select_n3A_407 : vector<256xf32>
    %select_n3A_488 = arith.select %lt3A_487, %reduce_min3A_475, %select_n3A_407 : vector<256xi1>, vector<256xf32>
    %select_n3A_489 = arith.select %lt3A_487, %add3A_486, %select_n3A_408 : vector<256xi1>, vector<256xi32>
    %get3A_490 = arith.constant 6144 : index
    %get3A_491 = arith.constant 0 : index
    %get3A_492 = vector.load %arg2[%get3A_490, %get3A_491] : memref<8192x256xf32, #tpu.memory_space<vmem>>, vector<1024x256xf32>
    %dot_general3A_493 = arith.constant dense<0.000000e+00> : vector<256x1024xf32>
    %dot_general3A_494 = tpu.matmul %get3A_1, %get3A_492, %dot_general3A_493 {dimension_numbers = #tpu.dot_dimension_numbers<[1], [1], [0], [0], [0, 0, 1, 0], [], []>, transpose_lhs_hint = false} : vector<256x256xf32>, vector<1024x256xf32>, vector<256x1024xf32> -> vector<256x1024xf32>
    %get3A_495 = arith.constant 0 : index
    %get3A_496 = arith.constant 0 : index
    %get3A_497 = arith.constant 6144 : index
    %get3A_498 = vector.load %arg4[%get3A_495, %get3A_496, %get3A_497] : memref<1x1x8192xf32, #tpu.memory_space<vmem>>, vector<1x1x1024xf32>
    %get3A_499 = vector.shape_cast %get3A_498 : vector<1x1x1024xf32> to vector<1024xf32>
    %broadcast_in_dim3A_500 = vector.shape_cast %get3A_6 : vector<256xf32> to vector<256x1xf32>
    %broadcast_in_dim3A_501 = vector.shape_cast %get3A_499 : vector<1024xf32> to vector<1x1024xf32>
    %add3A_502 = vector.broadcast %broadcast_in_dim3A_500 : vector<256x1xf32> to vector<256x1024xf32>
    %add3A_503 = vector.broadcast %broadcast_in_dim3A_501 : vector<1x1024xf32> to vector<256x1024xf32>
    %add3A_504 = arith.addf %add3A_502, %add3A_503 : vector<256x1024xf32>
    %sub3A_505 = arith.subf %add3A_504, %dot_general3A_494 : vector<256x1024xf32>
    %slice3A_506 = vector.extract_strided_slice %sub3A_505 {offsets = [0, 0], sizes = [256, 128], strides = [1, 1]} : vector<256x1024xf32> to vector<256x128xf32>
    %slice3A_507 = vector.extract_strided_slice %sub3A_505 {offsets = [0, 128], sizes = [256, 128], strides = [1, 1]} : vector<256x1024xf32> to vector<256x128xf32>
    %min3A_508 = arith.minimumf %slice3A_506, %slice3A_507 : vector<256x128xf32>
    %slice3A_509 = vector.extract_strided_slice %sub3A_505 {offsets = [0, 256], sizes = [256, 128], strides = [1, 1]} : vector<256x1024xf32> to vector<256x128xf32>
    %min3A_510 = arith.minimumf %min3A_508, %slice3A_509 : vector<256x128xf32>
    %slice3A_511 = vector.extract_strided_slice %sub3A_505 {offsets = [0, 384], sizes = [256, 128], strides = [1, 1]} : vector<256x1024xf32> to vector<256x128xf32>
    %min3A_512 = arith.minimumf %min3A_510, %slice3A_511 : vector<256x128xf32>
    %slice3A_513 = vector.extract_strided_slice %sub3A_505 {offsets = [0, 512], sizes = [256, 128], strides = [1, 1]} : vector<256x1024xf32> to vector<256x128xf32>
    %min3A_514 = arith.minimumf %min3A_512, %slice3A_513 : vector<256x128xf32>
    %slice3A_515 = vector.extract_strided_slice %sub3A_505 {offsets = [0, 640], sizes = [256, 128], strides = [1, 1]} : vector<256x1024xf32> to vector<256x128xf32>
    %min3A_516 = arith.minimumf %min3A_514, %slice3A_515 : vector<256x128xf32>
    %slice3A_517 = vector.extract_strided_slice %sub3A_505 {offsets = [0, 768], sizes = [256, 128], strides = [1, 1]} : vector<256x1024xf32> to vector<256x128xf32>
    %min3A_518 = arith.minimumf %min3A_516, %slice3A_517 : vector<256x128xf32>
    %slice3A_519 = vector.extract_strided_slice %sub3A_505 {offsets = [0, 896], sizes = [256, 128], strides = [1, 1]} : vector<256x1024xf32> to vector<256x128xf32>
    %min3A_520 = arith.minimumf %min3A_518, %slice3A_519 : vector<256x128xf32>
    %broadcast_in_dim3A_521 = arith.constant 1073741824 : i32
    %broadcast_in_dim3A_522 = vector.broadcast %broadcast_in_dim3A_521 : i32 to vector<256x128xi32>
    %slice3A_523 = vector.extract_strided_slice %sub3A_505 {offsets = [0, 896], sizes = [256, 128], strides = [1, 1]} : vector<256x1024xf32> to vector<256x128xf32>
    %eq3A_524 = arith.cmpf oeq, %slice3A_523, %min3A_520 : vector<256x128xf32>
    %slice3A_525 = vector.extract_strided_slice %iota3A {offsets = [0, 896], sizes = [256, 128], strides = [1, 1]} : vector<256x1024xi32> to vector<256x128xi32>
    %select_n3A_526 = arith.select %eq3A_524, %slice3A_525, %broadcast_in_dim3A_522 : vector<256x128xi1>, vector<256x128xi32>
    %slice3A_527 = vector.extract_strided_slice %sub3A_505 {offsets = [0, 768], sizes = [256, 128], strides = [1, 1]} : vector<256x1024xf32> to vector<256x128xf32>
    %eq3A_528 = arith.cmpf oeq, %slice3A_527, %min3A_520 : vector<256x128xf32>
    %slice3A_529 = vector.extract_strided_slice %iota3A {offsets = [0, 768], sizes = [256, 128], strides = [1, 1]} : vector<256x1024xi32> to vector<256x128xi32>
    %select_n3A_530 = arith.select %eq3A_528, %slice3A_529, %select_n3A_526 : vector<256x128xi1>, vector<256x128xi32>
    %slice3A_531 = vector.extract_strided_slice %sub3A_505 {offsets = [0, 640], sizes = [256, 128], strides = [1, 1]} : vector<256x1024xf32> to vector<256x128xf32>
    %eq3A_532 = arith.cmpf oeq, %slice3A_531, %min3A_520 : vector<256x128xf32>
    %slice3A_533 = vector.extract_strided_slice %iota3A {offsets = [0, 640], sizes = [256, 128], strides = [1, 1]} : vector<256x1024xi32> to vector<256x128xi32>
    %select_n3A_534 = arith.select %eq3A_532, %slice3A_533, %select_n3A_530 : vector<256x128xi1>, vector<256x128xi32>
    %slice3A_535 = vector.extract_strided_slice %sub3A_505 {offsets = [0, 512], sizes = [256, 128], strides = [1, 1]} : vector<256x1024xf32> to vector<256x128xf32>
    %eq3A_536 = arith.cmpf oeq, %slice3A_535, %min3A_520 : vector<256x128xf32>
    %slice3A_537 = vector.extract_strided_slice %iota3A {offsets = [0, 512], sizes = [256, 128], strides = [1, 1]} : vector<256x1024xi32> to vector<256x128xi32>
    %select_n3A_538 = arith.select %eq3A_536, %slice3A_537, %select_n3A_534 : vector<256x128xi1>, vector<256x128xi32>
    %slice3A_539 = vector.extract_strided_slice %sub3A_505 {offsets = [0, 384], sizes = [256, 128], strides = [1, 1]} : vector<256x1024xf32> to vector<256x128xf32>
    %eq3A_540 = arith.cmpf oeq, %slice3A_539, %min3A_520 : vector<256x128xf32>
    %slice3A_541 = vector.extract_strided_slice %iota3A {offsets = [0, 384], sizes = [256, 128], strides = [1, 1]} : vector<256x1024xi32> to vector<256x128xi32>
    %select_n3A_542 = arith.select %eq3A_540, %slice3A_541, %select_n3A_538 : vector<256x128xi1>, vector<256x128xi32>
    %slice3A_543 = vector.extract_strided_slice %sub3A_505 {offsets = [0, 256], sizes = [256, 128], strides = [1, 1]} : vector<256x1024xf32> to vector<256x128xf32>
    %eq3A_544 = arith.cmpf oeq, %slice3A_543, %min3A_520 : vector<256x128xf32>
    %slice3A_545 = vector.extract_strided_slice %iota3A {offsets = [0, 256], sizes = [256, 128], strides = [1, 1]} : vector<256x1024xi32> to vector<256x128xi32>
    %select_n3A_546 = arith.select %eq3A_544, %slice3A_545, %select_n3A_542 : vector<256x128xi1>, vector<256x128xi32>
    %slice3A_547 = vector.extract_strided_slice %sub3A_505 {offsets = [0, 128], sizes = [256, 128], strides = [1, 1]} : vector<256x1024xf32> to vector<256x128xf32>
    %eq3A_548 = arith.cmpf oeq, %slice3A_547, %min3A_520 : vector<256x128xf32>
    %slice3A_549 = vector.extract_strided_slice %iota3A {offsets = [0, 128], sizes = [256, 128], strides = [1, 1]} : vector<256x1024xi32> to vector<256x128xi32>
    %select_n3A_550 = arith.select %eq3A_548, %slice3A_549, %select_n3A_546 : vector<256x128xi1>, vector<256x128xi32>
    %slice3A_551 = vector.extract_strided_slice %sub3A_505 {offsets = [0, 0], sizes = [256, 128], strides = [1, 1]} : vector<256x1024xf32> to vector<256x128xf32>
    %eq3A_552 = arith.cmpf oeq, %slice3A_551, %min3A_520 : vector<256x128xf32>
    %slice3A_553 = vector.extract_strided_slice %iota3A {offsets = [0, 0], sizes = [256, 128], strides = [1, 1]} : vector<256x1024xi32> to vector<256x128xi32>
    %select_n3A_554 = arith.select %eq3A_552, %slice3A_553, %select_n3A_550 : vector<256x128xi1>, vector<256x128xi32>
    %reduce_min3A_555 = arith.constant dense<0x7F800000> : vector<256xf32>
    %reduce_min3A_556 = vector.multi_reduction <minimumf>, %min3A_520, %reduce_min3A_555 [1] : vector<256x128xf32> to vector<256xf32>
    %broadcast_in_dim3A_557 = vector.shape_cast %reduce_min3A_556 : vector<256xf32> to vector<256x1xf32>
    %eq3A_558 = vector.broadcast %broadcast_in_dim3A_557 : vector<256x1xf32> to vector<256x128xf32>
    %eq3A_559 = arith.cmpf oeq, %min3A_520, %eq3A_558 : vector<256x128xf32>
    %jit3A_560 = arith.constant 1073741824 : i32
    %broadcast_in_dim3A_561 = vector.broadcast %jit3A_560 : i32 to vector<256x128xi32>
    %select_n3A_562 = arith.select %eq3A_559, %select_n3A_554, %broadcast_in_dim3A_561 : vector<256x128xi1>, vector<256x128xi32>
    %reduce_min3A_563 = arith.constant dense<2147483647> : vector<256xi32>
    %reduce_min3A_564 = vector.multi_reduction <minsi>, %select_n3A_562, %reduce_min3A_563 [1] : vector<256x128xi32> to vector<256xi32>
    %add3A_565 = arith.constant 6144 : i32
    %add3A_566 = vector.broadcast %add3A_565 : i32 to vector<256xi32>
    %add3A_567 = arith.addi %reduce_min3A_564, %add3A_566 : vector<256xi32>
    %lt3A_568 = arith.cmpf olt, %reduce_min3A_556, %select_n3A_488 : vector<256xf32>
    %select_n3A_569 = arith.select %lt3A_568, %reduce_min3A_556, %select_n3A_488 : vector<256xi1>, vector<256xf32>
    %select_n3A_570 = arith.select %lt3A_568, %add3A_567, %select_n3A_489 : vector<256xi1>, vector<256xi32>
    %get3A_571 = arith.constant 7168 : index
    %get3A_572 = arith.constant 0 : index
    %get3A_573 = vector.load %arg2[%get3A_571, %get3A_572] : memref<8192x256xf32, #tpu.memory_space<vmem>>, vector<1024x256xf32>
    %dot_general3A_574 = arith.constant dense<0.000000e+00> : vector<256x1024xf32>
    %dot_general3A_575 = tpu.matmul %get3A_1, %get3A_573, %dot_general3A_574 {dimension_numbers = #tpu.dot_dimension_numbers<[1], [1], [0], [0], [0, 0, 1, 0], [], []>, transpose_lhs_hint = false} : vector<256x256xf32>, vector<1024x256xf32>, vector<256x1024xf32> -> vector<256x1024xf32>
    %get3A_576 = arith.constant 0 : index
    %get3A_577 = arith.constant 0 : index
    %get3A_578 = arith.constant 7168 : index
    %get3A_579 = vector.load %arg4[%get3A_576, %get3A_577, %get3A_578] : memref<1x1x8192xf32, #tpu.memory_space<vmem>>, vector<1x1x1024xf32>
    %get3A_580 = vector.shape_cast %get3A_579 : vector<1x1x1024xf32> to vector<1024xf32>
    %broadcast_in_dim3A_581 = vector.shape_cast %get3A_6 : vector<256xf32> to vector<256x1xf32>
    %broadcast_in_dim3A_582 = vector.shape_cast %get3A_580 : vector<1024xf32> to vector<1x1024xf32>
    %add3A_583 = vector.broadcast %broadcast_in_dim3A_581 : vector<256x1xf32> to vector<256x1024xf32>
    %add3A_584 = vector.broadcast %broadcast_in_dim3A_582 : vector<1x1024xf32> to vector<256x1024xf32>
    %add3A_585 = arith.addf %add3A_583, %add3A_584 : vector<256x1024xf32>
    %sub3A_586 = arith.subf %add3A_585, %dot_general3A_575 : vector<256x1024xf32>
    %slice3A_587 = vector.extract_strided_slice %sub3A_586 {offsets = [0, 0], sizes = [256, 128], strides = [1, 1]} : vector<256x1024xf32> to vector<256x128xf32>
    %slice3A_588 = vector.extract_strided_slice %sub3A_586 {offsets = [0, 128], sizes = [256, 128], strides = [1, 1]} : vector<256x1024xf32> to vector<256x128xf32>
    %min3A_589 = arith.minimumf %slice3A_587, %slice3A_588 : vector<256x128xf32>
    %slice3A_590 = vector.extract_strided_slice %sub3A_586 {offsets = [0, 256], sizes = [256, 128], strides = [1, 1]} : vector<256x1024xf32> to vector<256x128xf32>
    %min3A_591 = arith.minimumf %min3A_589, %slice3A_590 : vector<256x128xf32>
    %slice3A_592 = vector.extract_strided_slice %sub3A_586 {offsets = [0, 384], sizes = [256, 128], strides = [1, 1]} : vector<256x1024xf32> to vector<256x128xf32>
    %min3A_593 = arith.minimumf %min3A_591, %slice3A_592 : vector<256x128xf32>
    %slice3A_594 = vector.extract_strided_slice %sub3A_586 {offsets = [0, 512], sizes = [256, 128], strides = [1, 1]} : vector<256x1024xf32> to vector<256x128xf32>
    %min3A_595 = arith.minimumf %min3A_593, %slice3A_594 : vector<256x128xf32>
    %slice3A_596 = vector.extract_strided_slice %sub3A_586 {offsets = [0, 640], sizes = [256, 128], strides = [1, 1]} : vector<256x1024xf32> to vector<256x128xf32>
    %min3A_597 = arith.minimumf %min3A_595, %slice3A_596 : vector<256x128xf32>
    %slice3A_598 = vector.extract_strided_slice %sub3A_586 {offsets = [0, 768], sizes = [256, 128], strides = [1, 1]} : vector<256x1024xf32> to vector<256x128xf32>
    %min3A_599 = arith.minimumf %min3A_597, %slice3A_598 : vector<256x128xf32>
    %slice3A_600 = vector.extract_strided_slice %sub3A_586 {offsets = [0, 896], sizes = [256, 128], strides = [1, 1]} : vector<256x1024xf32> to vector<256x128xf32>
    %min3A_601 = arith.minimumf %min3A_599, %slice3A_600 : vector<256x128xf32>
    %broadcast_in_dim3A_602 = arith.constant 1073741824 : i32
    %broadcast_in_dim3A_603 = vector.broadcast %broadcast_in_dim3A_602 : i32 to vector<256x128xi32>
    %slice3A_604 = vector.extract_strided_slice %sub3A_586 {offsets = [0, 896], sizes = [256, 128], strides = [1, 1]} : vector<256x1024xf32> to vector<256x128xf32>
    %eq3A_605 = arith.cmpf oeq, %slice3A_604, %min3A_601 : vector<256x128xf32>
    %slice3A_606 = vector.extract_strided_slice %iota3A {offsets = [0, 896], sizes = [256, 128], strides = [1, 1]} : vector<256x1024xi32> to vector<256x128xi32>
    %select_n3A_607 = arith.select %eq3A_605, %slice3A_606, %broadcast_in_dim3A_603 : vector<256x128xi1>, vector<256x128xi32>
    %slice3A_608 = vector.extract_strided_slice %sub3A_586 {offsets = [0, 768], sizes = [256, 128], strides = [1, 1]} : vector<256x1024xf32> to vector<256x128xf32>
    %eq3A_609 = arith.cmpf oeq, %slice3A_608, %min3A_601 : vector<256x128xf32>
    %slice3A_610 = vector.extract_strided_slice %iota3A {offsets = [0, 768], sizes = [256, 128], strides = [1, 1]} : vector<256x1024xi32> to vector<256x128xi32>
    %select_n3A_611 = arith.select %eq3A_609, %slice3A_610, %select_n3A_607 : vector<256x128xi1>, vector<256x128xi32>
    %slice3A_612 = vector.extract_strided_slice %sub3A_586 {offsets = [0, 640], sizes = [256, 128], strides = [1, 1]} : vector<256x1024xf32> to vector<256x128xf32>
    %eq3A_613 = arith.cmpf oeq, %slice3A_612, %min3A_601 : vector<256x128xf32>
    %slice3A_614 = vector.extract_strided_slice %iota3A {offsets = [0, 640], sizes = [256, 128], strides = [1, 1]} : vector<256x1024xi32> to vector<256x128xi32>
    %select_n3A_615 = arith.select %eq3A_613, %slice3A_614, %select_n3A_611 : vector<256x128xi1>, vector<256x128xi32>
    %slice3A_616 = vector.extract_strided_slice %sub3A_586 {offsets = [0, 512], sizes = [256, 128], strides = [1, 1]} : vector<256x1024xf32> to vector<256x128xf32>
    %eq3A_617 = arith.cmpf oeq, %slice3A_616, %min3A_601 : vector<256x128xf32>
    %slice3A_618 = vector.extract_strided_slice %iota3A {offsets = [0, 512], sizes = [256, 128], strides = [1, 1]} : vector<256x1024xi32> to vector<256x128xi32>
    %select_n3A_619 = arith.select %eq3A_617, %slice3A_618, %select_n3A_615 : vector<256x128xi1>, vector<256x128xi32>
    %slice3A_620 = vector.extract_strided_slice %sub3A_586 {offsets = [0, 384], sizes = [256, 128], strides = [1, 1]} : vector<256x1024xf32> to vector<256x128xf32>
    %eq3A_621 = arith.cmpf oeq, %slice3A_620, %min3A_601 : vector<256x128xf32>
    %slice3A_622 = vector.extract_strided_slice %iota3A {offsets = [0, 384], sizes = [256, 128], strides = [1, 1]} : vector<256x1024xi32> to vector<256x128xi32>
    %select_n3A_623 = arith.select %eq3A_621, %slice3A_622, %select_n3A_619 : vector<256x128xi1>, vector<256x128xi32>
    %slice3A_624 = vector.extract_strided_slice %sub3A_586 {offsets = [0, 256], sizes = [256, 128], strides = [1, 1]} : vector<256x1024xf32> to vector<256x128xf32>
    %eq3A_625 = arith.cmpf oeq, %slice3A_624, %min3A_601 : vector<256x128xf32>
    %slice3A_626 = vector.extract_strided_slice %iota3A {offsets = [0, 256], sizes = [256, 128], strides = [1, 1]} : vector<256x1024xi32> to vector<256x128xi32>
    %select_n3A_627 = arith.select %eq3A_625, %slice3A_626, %select_n3A_623 : vector<256x128xi1>, vector<256x128xi32>
    %slice3A_628 = vector.extract_strided_slice %sub3A_586 {offsets = [0, 128], sizes = [256, 128], strides = [1, 1]} : vector<256x1024xf32> to vector<256x128xf32>
    %eq3A_629 = arith.cmpf oeq, %slice3A_628, %min3A_601 : vector<256x128xf32>
    %slice3A_630 = vector.extract_strided_slice %iota3A {offsets = [0, 128], sizes = [256, 128], strides = [1, 1]} : vector<256x1024xi32> to vector<256x128xi32>
    %select_n3A_631 = arith.select %eq3A_629, %slice3A_630, %select_n3A_627 : vector<256x128xi1>, vector<256x128xi32>
    %slice3A_632 = vector.extract_strided_slice %sub3A_586 {offsets = [0, 0], sizes = [256, 128], strides = [1, 1]} : vector<256x1024xf32> to vector<256x128xf32>
    %eq3A_633 = arith.cmpf oeq, %slice3A_632, %min3A_601 : vector<256x128xf32>
    %slice3A_634 = vector.extract_strided_slice %iota3A {offsets = [0, 0], sizes = [256, 128], strides = [1, 1]} : vector<256x1024xi32> to vector<256x128xi32>
    %select_n3A_635 = arith.select %eq3A_633, %slice3A_634, %select_n3A_631 : vector<256x128xi1>, vector<256x128xi32>
    %reduce_min3A_636 = arith.constant dense<0x7F800000> : vector<256xf32>
    %reduce_min3A_637 = vector.multi_reduction <minimumf>, %min3A_601, %reduce_min3A_636 [1] : vector<256x128xf32> to vector<256xf32>
    %broadcast_in_dim3A_638 = vector.shape_cast %reduce_min3A_637 : vector<256xf32> to vector<256x1xf32>
    %eq3A_639 = vector.broadcast %broadcast_in_dim3A_638 : vector<256x1xf32> to vector<256x128xf32>
    %eq3A_640 = arith.cmpf oeq, %min3A_601, %eq3A_639 : vector<256x128xf32>
    %jit3A_641 = arith.constant 1073741824 : i32
    %broadcast_in_dim3A_642 = vector.broadcast %jit3A_641 : i32 to vector<256x128xi32>
    %select_n3A_643 = arith.select %eq3A_640, %select_n3A_635, %broadcast_in_dim3A_642 : vector<256x128xi1>, vector<256x128xi32>
    %reduce_min3A_644 = arith.constant dense<2147483647> : vector<256xi32>
    %reduce_min3A_645 = vector.multi_reduction <minsi>, %select_n3A_643, %reduce_min3A_644 [1] : vector<256x128xi32> to vector<256xi32>
    %add3A_646 = arith.constant 7168 : i32
    %add3A_647 = vector.broadcast %add3A_646 : i32 to vector<256xi32>
    %add3A_648 = arith.addi %reduce_min3A_645, %add3A_647 : vector<256xi32>
    %lt3A_649 = arith.cmpf olt, %reduce_min3A_637, %select_n3A_569 : vector<256xf32>
    %select_n3A_650 = arith.select %lt3A_649, %reduce_min3A_637, %select_n3A_569 : vector<256xi1>, vector<256xf32>
    %select_n3A_651 = arith.select %lt3A_649, %add3A_648, %select_n3A_570 : vector<256xi1>, vector<256xi32>
    %convert_element_type3A = arith.truncf %select_n3A_322 : vector<256xf32> to vector<256xbf16>
    %convert_element_type3A_652 = arith.extf %convert_element_type3A : vector<256xbf16> to vector<256xf32>
    %lt3A_653 = arith.cmpf olt, %select_n3A_650, %convert_element_type3A_652 : vector<256xf32>
    %select_n3A_654 = arith.select %lt3A_653, %select_n3A_650, %select_n3A_322 : vector<256xi1>, vector<256xf32>
    %select_n3A_655 = arith.select %lt3A_653, %select_n3A_651, %select_n3A_323 : vector<256xi1>, vector<256xi32>
    %swap3A = arith.constant 0 : index
    %swap3A_656 = arith.constant 0 : index
    %swap3A_657 = arith.constant 0 : index
    %swap3A_658 = vector.load %arg5[%swap3A, %swap3A_656, %swap3A_657] : memref<1x1x256xi32, #tpu.memory_space<vmem>>, vector<1x1x256xi32>
    %swap3A_659 = vector.shape_cast %swap3A_658 : vector<1x1x256xi32> to vector<256xi32>
    %swap3A_660 = vector.shape_cast %select_n3A_655 : vector<256xi32> to vector<1x1x256xi32>
    tpu.vector_store %arg5[%swap3A, %swap3A_656, %swap3A_657], %swap3A_660 {strides = array<i32>} : memref<1x1x256xi32, #tpu.memory_space<vmem>>, vector<1x1x256xi32>,
    %iota3A_661 = tpu.iota {dimensions = array<i32: 1>} : vector<256x8192xi32>
    %broadcast_in_dim3A_662 = vector.shape_cast %select_n3A_655 : vector<256xi32> to vector<256x1xi32>
    %eq3A_663 = vector.broadcast %broadcast_in_dim3A_662 : vector<256x1xi32> to vector<256x8192xi32>
    %eq3A_664 = arith.cmpi eq, %iota3A_661, %eq3A_663 : vector<256x8192xi32>
    %convert_element_type3A_665 = arith.extui %eq3A_664 : vector<256x8192xi1> to vector<256x8192xi32>
    %convert_element_type3A_666 = arith.sitofp %convert_element_type3A_665 : vector<256x8192xi32> to vector<256x8192xf32>
    %swap3A_667 = arith.constant 0 : index
    %swap3A_668 = arith.constant 0 : index
    %swap3A_669 = vector.load %arg6[%swap3A_667, %swap3A_668] : memref<256x8192xf32, #tpu.memory_space<vmem>>, vector<256x8192xf32>
    tpu.vector_store %arg6[%swap3A_667, %swap3A_668], %convert_element_type3A_666 {strides = array<i32>} : memref<256x8192xf32, #tpu.memory_space<vmem>>, vector<256x8192xf32>,
    %reduce_sum3A = vector.shape_cast %select_n3A_654 : vector<256xf32> to vector<1x256xf32>
    %reduce_sum3A_670 = arith.constant dense<0.000000e+00> : vector<1xf32>
    %reduce_sum3A_671 = vector.multi_reduction <add>, %reduce_sum3A, %reduce_sum3A_670 [1] : vector<1x256xf32> to vector<1xf32>
    %reduce_sum3A_672 = vector.shape_cast %reduce_sum3A_671 : vector<1xf32> to vector<1x1xf32>
    %reduce_sum3A_673 = vector.extract %reduce_sum3A_672[0, 0] : f32 from vector<1x1xf32>
    %swap3A_674 = arith.constant 0 : index
    %swap3A_675 = arith.constant 0 : index
    %swap3A_676 = arith.constant 0 : index
    %swap3A_677 = memref.load %arg7[%swap3A_674, %swap3A_675, %swap3A_676] : memref<1x1x1xf32, #tpu.memory_space<smem>>
    memref.store %reduce_sum3A_673, %arg7[%swap3A_674, %swap3A_675, %swap3A_676] : memref<1x1x1xf32, #tpu.memory_space<smem>>
    return
  }
  func.func @transform_0(%arg0: i32) -> (i32, i32) {
    %c0_i32 = arith.constant 0 : i32
    %c0_i32_0 = arith.constant 0 : i32
    return %arg0, %c0_i32 : i32, i32
  }
  func.func @transform_1(%arg0: i32) -> (i32, i32) {
    %c0_i32 = arith.constant 0 : i32
    %c0_i32_0 = arith.constant 0 : i32
    %c0_i32_1 = arith.constant 0 : i32
    return %c0_i32, %c0_i32_0 : i32, i32
  }
  func.func @transform_2(%arg0: i32) -> (i32, i32, i32) {
    %c0_i32 = arith.constant 0 : i32
    %c0_i32_0 = arith.constant 0 : i32
    %c0_i32_1 = arith.constant 0 : i32
    return %arg0, %c0_i32, %c0_i32_0 : i32, i32, i32
  }
  func.func @transform_3(%arg0: i32) -> (i32, i32, i32) {
    %c0_i32 = arith.constant 0 : i32
    %c0_i32_0 = arith.constant 0 : i32
    %c0_i32_1 = arith.constant 0 : i32
    %c0_i32_2 = arith.constant 0 : i32
    return %c0_i32, %c0_i32_0, %c0_i32_1 : i32, i32, i32
  }
  func.func @transform_4(%arg0: i32) -> (i32, i32, i32) {
    %c0_i32 = arith.constant 0 : i32
    %c0_i32_0 = arith.constant 0 : i32
    %c0_i32_1 = arith.constant 0 : i32
    return %arg0, %c0_i32, %c0_i32_0 : i32, i32, i32
  }
  func.func @transform_5(%arg0: i32) -> (i32, i32) {
    %c0_i32 = arith.constant 0 : i32
    %c0_i32_0 = arith.constant 0 : i32
    return %arg0, %c0_i32 : i32, i32
  }
  func.func @transform_6(%arg0: i32) -> (i32, i32, i32) {
    %c0_i32 = arith.constant 0 : i32
    %c0_i32_0 = arith.constant 0 : i32
    %c0_i32_1 = arith.constant 0 : i32
    return %arg0, %c0_i32, %c0_i32_0 : i32, i32, i32
  }
}

</mosaic_0001>

<sc_bundles>
// kernel: kernel.4.cloned.1.call-start
scs
__scs_entry_jumppad:
0x0: {  	(pc) =	sbr.rel $0x88, $3  }
0x1: {  	(tag) =	ssettag $0x0;
	lr =	simm.s32 $0x1  }
0x2: {  	[smem:$0x3F9F] =	sst lr;
	_ =	strace $0xD0000000  }
0x3: {  	_ = 	snop  }
0x4: {  	_ = 	snop  }
0x5: {  	_ = 	snop  }
0x6: {  	_ = 	snop  }
0x7: {  	_ = 	snop  }
__scs_overlays_trampoline_lowered:
0x8: {  	[smem:$0x3FAE] =	sst s0  }
0x9: {  	[smem:$0x3FAF] =	sst s1  }
0xa: {  	[smem:$0x3FB0] =	sst s2  }
0xb: {  	[smem:$0x3FB1] =	sst s3  }
0xc: {  	[smem:$0x3FB2] =	sst s4  }
0xd: {  	[smem:$0x3FB3] =	sst s5  }
0xe: {  	[smem:$0x3FB4] =	sst s6  }
0xf: {  	[smem:$0x3FB5] =	sst s7  }
0x10: {  	[smem:$0x3FB6] =	sst s8  }
0x11: {  	[smem:$0x3FB7] =	sst s9;
	s0 =	simm.s32 @!p0 $0x0  }
0x12: {  	s1 =	sld [smem:$0x3F9D];
	s0 =	simm.s32 @p0 $0x1  }
0x13: {  	[smem:$0x3FB8] =	sst s0;
	s0 =	simm.s32 @!p1 $0x0  }
0x14: {  	s2 =	sld [smem:$0x3F9C];
	s0 =	simm.s32 @p1 $0x1  }
0x15: {  	[smem:$0x3FB9] =	sst s0;
	s0 =	simm.s32 @!p2 $0x0  }
0x16: {  	s3 =	sld [smem:$0x3FDB];
	s0 =	simm.s32 @p2 $0x1  }
0x17: {  	s4 =	simm.s32 $0x1BF5;
	[smem:$0x3FBB] =	sst s0  }
0x18: {  	s0 =	sld [smem:$0x3F9E];
	_ =	swait.ge [sflag:s4], $0x0  }
0x19: {  	s7 =	sld [smem:$0x3F9F]  }
0x1a: {  	s8 =	sadd.s32 $0xFFFFE003, lr  }
0x1b: {  	s9 =	sadd.s32 $0xFFFFFEF7, lr;
	s5 =	simm.s32 $0xFFFFFFFF;
	p2 =	slt.u32 s8, $0xFFFFF086  }
0x1c: {  	p1 =	slt.u32 s9, $0xF7A;
	s5 =	simm.s32 @!p2 $0x0  }
0x1d: {  	s5 =	simm.s32 @p1 $0x1;
	p0 =	seq.s32 s7, s2  }
0x1e: {  	s7 =	smul.u32 @!p0 $0xF7A, s2;
	p2 =	seq.s32 @!p0 s5, $0x0  }
0x1f: {  	s9 =	smul.u32 $0xF7A, s1;
	s8 =	simm.s32 @!p0 $0x1BF5;
	p2 =	por !p2, p0  }
0x20: {  	[sflag:s8] =	ssyncset.s32 @!p0 $0xFFFFF086;
	s6 =	sadd.s32 @!p0 s3, s7;
	s7 =	simm.s32 @!p0 $0x108  }
0x21: {  	s3 =	sadd.s32 s3, s9;
	s6 =	sadd.s32 @!p0 $0x88, s6;
	s7 =	simm.s32 @p2 $0x1082  }
0x22: {  	[simem:s7], [sflag:s8] =	dma.local @!p0 [hbm:s6], $0xF7A  }
0x23: {  	s9 =	sor.u32 $0xD0000000, s2;
	s6 =	simm.s32 $0x108;
	_ =	swait.ge @!p0 [sflag:s8], $0x0  }
0x24: {  	s3 =	sadd.s32 $0x88, s3;
	s6 =	simm.s32 @!p1 $0x1082;
	[sflag:s4] =	ssyncset.s32 $0xFFFFF086  }
0x25: {  	[simem:s6], [sflag:s4] =	dma.local [hbm:s3], $0xF7A  }
0x26: {  	[smem:$0x3F9F] =	sst s1;
	(tag) =	ssettag s2;
	_ =	strace s9  }
0x27: {  	s1 =	sld [smem:$0x3FAF]  }
0x28: {  	s2 =	sld [smem:$0x3FB0]  }
0x29: {  	s4 =	sld [smem:$0x3FB2]  }
0x2a: {  	p0 =	seq.s32 s5, $0x0;
	s5 =	sld [smem:$0x3FB3]  }
0x2b: {  	s6 =	sld [smem:$0x3FB4]  }
0x2c: {  	s7 =	sld [smem:$0x3FB5]  }
0x2d: {  	s3 =	simm.s32 $0x108;
	s8 =	sld [smem:$0x3FB6]  }
0x2e: {  	s3 =	simm.s32 @!p0 $0x1082;
	s9 =	sld [smem:$0x3FB7]  }
0x2f: {  	lr =	sadd.s32 s0, s3;
	s0 =	sld [smem:$0x3FAE]  }
0x30: {  	s3 =	sld [smem:$0x3FB1]  }
0x31: {  	[smem:$0x3FBA] =	sst s10  }
0x32: {  	s10 =	sld [smem:$0x3FB8];
	_ =	sdelay $0x3  }
0x33: {  	p0 =	seq.s32 s10, $0x1;
	s10 =	sld [smem:$0x3FBA];
	_ =	sdelay $0x3  }
0x34: {  	[smem:$0x3FBA] =	sst s10  }
0x35: {  	s10 =	sld [smem:$0x3FB9];
	_ =	sdelay $0x3  }
0x36: {  	p1 =	seq.s32 s10, $0x1;
	s10 =	sld [smem:$0x3FBA];
	_ =	sdelay $0x3  }
0x37: {  	[smem:$0x3FBA] =	sst s10  }
0x38: {  	s10 =	sld [smem:$0x3FBB]  }
0x39: {  	_ = 	snop;
	(pc) =	sbr.ind lr, $3  }
0x3a: {  	_ = 	snop  }
0x3b: {  	_ = 	snop  }
0x3c: {  	p2 =	seq.s32 s10, $0x1;
	s10 =	sld [smem:$0x3FBA]  }
0x3d: {  	_ =	shalt  }
0x3e: {  	_ =	shalt  }
0x3f: {  	_ =	shalt  }
0x40: {  	_ =	shalt  }
0x41: {  	_ =	shalt  }
0x42: {  	_ =	shalt  }
0x43: {  	_ =	shalt  }
0x44: {  	_ =	shalt  }
0x45: {  	_ =	shalt  }
0x46: {  	_ =	shalt  }
0x47: {  	_ =	shalt  }
0x48: {  	_ =	shalt  }
0x49: {  	_ =	shalt  }
0x4a: {  	_ =	shalt  }
0x4b: {  	_ =	shalt  }
0x4c: {  	_ =	shalt  }
0x4d: {  	_ =	shalt  }
0x4e: {  	_ =	shalt  }
0x4f: {  	_ =	shalt  }
0x50: {  	_ =	shalt  }
0x51: {  	_ =	shalt  }
0x52: {  	_ =	shalt  }
0x53: {  	_ =	shalt  }
0x54: {  	_ =	shalt  }
0x55: {  	_ =	shalt  }
0x56: {  	_ =	shalt  }
0x57: {  	_ =	shalt  }
0x58: {  	_ =	shalt  }
0x59: {  	_ =	shalt  }
0x5a: {  	_ =	shalt  }
0x5b: {  	_ =	shalt  }
0x5c: {  	_ =	shalt  }
0x5d: {  	_ =	shalt  }
0x5e: {  	_ =	shalt  }
0x5f: {  	_ =	shalt  }
0x60: {  	_ =	shalt  }
0x61: {  	_ =	shalt  }
0x62: {  	_ =	shalt  }
0x63: {  	_ =	shalt  }
0x64: {  	_ =	shalt  }
0x65: {  	_ =	shalt  }
0x66: {  	_ =	shalt  }
0x67: {  	_ =	shalt  }
0x68: {  	_ =	shalt  }
0x69: {  	_ =	shalt  }
0x6a: {  	_ =	shalt  }
0x6b: {  	_ =	shalt  }
0x6c: {  	_ =	shalt  }
0x6d: {  	_ =	shalt  }
0x6e: {  	_ =	shalt  }
0x6f: {  	_ =	shalt  }
0x70: {  	_ =	shalt  }
0x71: {  	_ =	shalt  }
0x72: {  	_ =	shalt  }
0x73: {  	_ =	shalt  }
0x74: {  	_ =	shalt  }
0x75: {  	_ =	shalt  }
0x76: {  	_ =	shalt  }
0x77: {  	_ =	shalt  }
0x78: {  	_ =	shalt  }
0x79: {  	_ =	shalt  }
0x7a: {  	_ =	shalt  }
0x7b: {  	_ =	shalt  }
0x7c: {  	_ =	shalt  }
0x7d: {  	_ =	shalt  }
0x7e: {  	_ =	shalt  }
0x7f: {  	_ =	shalt  }
0x80: {  	_ =	shalt  }
0x81: {  	_ =	shalt  }
0x82: {  	_ =	shalt  }
0x83: {  	_ =	shalt  }
0x84: {  	_ =	shalt  }
0x85: {  	_ =	shalt  }
0x86: {  	_ =	shalt  }
0x87: {  	_ =	shalt  }
.Lfunc_end0:
.L_simem_size_0:
called_computation_lowered:
.L_overlay_start_0:
0x88: {  	s2 =	sld [smem:$0x3FD9]  }
0x89: {  	s3 =	sld [smem:$0x3FFE];
	_ =	sdelay $0x1  }
0x8a: {  	s1 =	srdreg.scid  }
0x8b: {  	s0 =	sand.u32 $0x1, s1  }
0x8c: {  	s14 =	sshll.u32 s0, $0xA;
	s2 =	sadd.s32 s3, s2  }
0x8d: {  	s2 =	sadd.s32 s2, s14  }
0x8e: {  	[smem:$0x3FC6] =	sst s2  }
0x8f: {  	_ = 	snop  }
0x90: {  	s2 =	sld [smem:$0x3FD0];
	_ =	sdelay $0x2  }
0x91: {  	s4 =	simm.s32 $0xA;
	s5 =	simm.s32 $0x10;
	s15 =	sld [smem:$0x3FC8]  }
0x92: {  	[smem:s5], [sflag:s4] =	dma.local [hbm:s2], $0x1  }
0x93: {  	_ =	swait.eq [sflag:s4], $0x1  }
0x94: {  	[sflag:s4] =	ssyncset.done $0x0  }
0x95: {  	[sflag:s4] =	ssyncadd.s32 $0xFFFFFFFF  }
0x96: {  	s16 =	sld [smem:$0x11];
	(tm) =	ssettm $0x1  }
0x97: {  	s17 =	sld [smem:$0x3FFB];
	_ =	sdelay $0x3  }
0x98: {  	_ =	strace s17  }
0x99: {  	s4 =	sld [smem:$0x3FFC];
	_ =	sdelay $0x3  }
0x9a: {  	_ =	strace s4  }
0x9b: {  	s4 =	sld [smem:$0x3FFD];
	_ =	sdelay $0x3  }
0x9c: {  	_ =	strace s4  }
0x9d: {  	_ =	strace $0x8FFFFFFF  }
0x9e: {  	s18 =	sld [smem:$0x3FDB];
	_ =	sdelay $0x1  }
0x9f: {  	s19 =	simm.s32 $_scs_section_size  }
0xa0: {  	s6 =	simm.s32 $_size__tile_overlayer_lowered;
	s7 =	simm.s32 $_tile_overlayer_lowered  }
0xa1: {  	s22 =	simm.s32 $0x1BFF;
	s21 =	sshll.u32 s7, $0x1;
	s4 =	sadd.s32 s19, s18  }
0xa2: {  	s8 =	simm.s32 $0x0;
	s20 =	sshll.u32 s6, $0x1;
	s6 =	sadd.s32 s21, s4  }
0xa3: {  	[timem:s8], [sflag:s22] =	dma.local [hbm:s6], s20  }
0xa4: {  	_ =	swait.ge [sflag:s22], s20  }
0xa5: {  	s5 =	ssub.s32 $0x0, s20;
	[sflag:s22] =	ssyncset.done $0x0  }
0xa6: {  	[sflag:s22] =	ssyncadd.s32 s5;
	_ =	sdelay $0x1  }
0xa7: {  	s23 =	simm.s32 $0x1B8B  }
0xa8: {  	_ =	swait.ge [sflag:s23], $0x1  }
0xa9: {  	[sflag:s23] =	ssyncset.done $0x0  }
0xaa: {  	s25 =	simm.s32 $0x1B8E;
	s24 =	sld [smem:$0x3FFE];
	[sflag:s23] =	ssyncadd.s32 $0xFFFFFFFF  }
0xab: {  	s26 =	simm.s32 $execute0_lowered;
	[smem:$0x3FD2] =	sst s25  }
0xac: {  	s6 =	sshll.u32 s26, $0x1;
	_ =	strace $0x80000046;
	[dreg:$0x1] =	wrdreg $0xFFFFFFFF  }
0xad: {  	s28 =	simm.s32 $_size_execute0_lowered;
	s4 =	sadd.s32 s4, s6;
	[dreg:$0x0] =	wrdreg $0x0  }
0xae: {  	s6 =	sshll.u32 s28, $0x1;
	[dreg:$0x2] =	wrdreg s4  }
0xaf: {  	[dreg:$0x3] =	wrdreg s6  }
0xb0: {  	[dreg:$0x4] =	wrdreg $0xC0  }
0xb1: {  	_ =	task [dreg:s8], $0x5FFFF  }
0xb2: {  	[dreg:$0x1] =	wrdreg $0xFFFFFFFF  }
0xb3: {  	[dreg:$0x0] =	wrdreg $0x60  }
0xb4: {  	[dreg:$0x2] =	wrdreg s24  }
0xb5: {  	[dreg:$0x3] =	wrdreg s15  }
0xb6: {  	[dreg:$0x4] =	wrdreg s16  }
0xb7: {  	[dreg:$0x5] =	wrdreg $0x9  }
0xb8: {  	_ =	task.clear_ibuf [dreg:s8], $0x6FFFF;
	_ =	strace $0x90000046  }
0xb9: {  	s29 =	simm.s32 $0x9;
	_ =	strace $0x80000048  }
0xba: {  	_ =	swait.ge [sflag:s29], $0x1  }
0xbb: {  	[sflag:s29] =	ssyncadd.s32 $0xFFFFFFFF  }
0xbc: {  	_ =	strace $0x90000048  }
0xbd: {  	_ =	sfence  }
0xbe: {  	s30 =	sld [smem:$0x0];
	_ =	sdelay $0x2  }
0xbf: {  	s31 =	sshll.u32 s1, $0xD;
	s1 =	sshrl.u32 s1, $0x2  }
0xc0: {  	s3 =	sand.u32 $0x4000, s31;
	s1 =	sadd.s32 s1, s30  }
0xc1: {  	s0 =	sor.u32 s3, s0;
	s1 =	sshll.u32 s1, $0x11  }
0xc2: {  	s0 =	sor.u32 s1, s0  }
0xc3: {  	s0 =	sadd.s32 $0x8F2B, s0  }
0xc4: {  	[sflag:s0] =	ssyncadd.remote.s32 $0x1  }
0xc5: {  	_ =	sfence.sel $0xFFFF  }
0xc6: {  	[dreg:$0x0] =	wrdreg $0xFFFFFFFF;
	(pc) =	sbr.abs _section_cstart, $3  }
0xc7: {  	[dreg:$0x1] =	wrdreg $0xFFFFFFFF  }
0xc8: {  	_ =	task.clear_ibuf [dreg:s8], $0x2FFFF;
	_ =	strace $0x9FFFFFFF  }
0xc9: {  	(tm) =	ssettm $0x7FFFFFFF  }
tec
execute0_lowered:
.L_overlay_start_1:
0x0: {  	(tag) =	ssettag $0x1  }
0x1: {  	s1 =	rddreg [dreg:$0x0]  }
0x2: {  	s3 =	srdreg.scid;
	s2 =	rddreg [dreg:$0x1]  }
0x3: {  	s0 =	stileid.u32;
	s5 =	rddreg [dreg:$0x2]  }
0x4: {  	s19 =	simm.s32 $0x900;
	s20 =	simm.s32 $0x1100;
	s21 =	simm.s32 $0x1900  }
0x5: {  	s23 =	simm.s32 $0x2100;
	s24 =	simm.s32 $0x2900;
	s25 =	simm.s32 $0x3100  }
0x6: {  	s26 =	simm.s32 $0x3900;
	s8 =	simm.s32 $0x4900;
	s9 =	simm.s32 $0x5100  }
0x7: {  	s10 =	simm.s32 $0x5900;
	s11 =	simm.s32 $0x6100;
	s12 =	simm.s32 $0x6900  }
0x8: {  	s13 =	simm.s32 $0x7100;
	s4 =	sand.u32 $0x1, s3;
	s3 =	simm.s32 $0x0  }
0x9: {  	s14 =	simm.s32 $0x7900;
	s15 =	simm.s32 $0x8100;
	[smem:$0x7FF] =	sst s3  }
0xa: {  	s16 =	simm.s32 $0x8900;
	_ =	strace $0x80000047;
	[dreg:$0x6] =	wrdreg s19  }
0xb: {  	s17 =	simm.s32 $0x9100;
	s28 =	simm.s32 $0xE100;
	[dreg:$0x7] =	wrdreg s20  }
0xc: {  	s29 =	simm.s32 $0xE900;
	s30 =	simm.s32 $0xF100;
	[dreg:$0x8] =	wrdreg s21  }
0xd: {  	s31 =	simm.s32 $0xF900;
	s6 =	sshll.u32 s0, $0x9;
	[dreg:$0x9] =	wrdreg s23  }
0xe: {  	s7 =	sshll.u32 s4, $0x8;
	s4 =	ssub.s32 $0x2, s4;
	[dreg:$0xa] =	wrdreg s24  }
0xf: {  	s6 =	sor.u32 s7, s6;
	s22 =	sshrl.u32 s4, $0x1;
	[dreg:$0xb] =	wrdreg s25  }
0x10: {  	[dreg:$0xc] =	wrdreg s26;
	s19 =	simm.s32 $0xA100;
	s20 =	simm.s32 $0xA900  }
0x11: {  	s21 =	simm.s32 $0xB100;
	s23 =	simm.s32 $0xC100;
	s24 =	simm.s32 $0xC900  }
0x12: {  	s25 =	simm.s32 $0xD100;
	s26 =	simm.s32 $0xD900;
	s7 =	sshrl.u32 s6, $0x3  }
0x13: {  	s6 =	sshll.u32 s6, $0x5;
	s4 =	ssub.s32 s4, s22;
	s22 =	simm.s32 $0xB900  }
0x14: {  	v2 =	vlaneseq.u32;
	s1 =	sadd.s32 s1, s7;
	s18 =	sadd.s32 s5, s6;
	s4 =	smax.u32 s4, $0x1  }
0x15: {  	vm0 =	vmmov $0xffff;
	v1 =	vshrl.u32 v2, $0x3;
	s5 =	simm.s32 $0x2;
	s6 =	simm.s32 $0x100;
	[dreg:$0x4] =	wrdreg s1  }
0x16: {  	v0 =	vand.u32 $0x7, v2;
	v2 =	vor.u32 $0x8, v2;
	v1 =	vmul.u32 $0x8, v1;
	[dreg:$0x5] =	wrdreg s18;
	s18 =	simm.s32 $0x9900;
	s1 =	simm.s32 $0x1  }
.LBB2_1:
0x17: {  	s0 =	rddreg [dreg:$0x4]  }
0x18: {  	[tilespmem:s3], [sflag:$0x2] =	stream.linear.gather [hbm4b:s0+s3], $0x100, $0x38;
	[tilespmem:$0x10100] =	vst v63  }
0x19: {  	_ =	swait.ge [sflag:s5], $0x100  }
0x1a: {  	[sflag:s5] =	ssyncset.done $0x0  }
0x1b: {  	[sflag:s5] =	ssyncadd.s32 $0xFFFFFF00  }
0x1c: {  	v3 =	vld [tilespmem:$0x0];
	_ =	sdelay $0x4  }
0x1d: {  	v4 =	vshll.u32 v3, $0x1  }
0x1e: {  	v3 =	vand.u32 $0x7, v3;
	v4 =	vand.u32 $0xFFFFFFF0, v4  }
0x1f: {  	v3 =	vor.u32 v3, v4  }
0x20: {  	v4 =	vperm.xlane v3, v0;
	_ =	sdelay $0x1  }
0x21: {  	v3 =	vperm.xlane v3, v2;
	v4 =	vadd.s32 v1, v4;
	_ =	sdelay $0x1  }
0x22: {  	v3 =	vadd.s32 v1, v3;
	_ =	sdelay $0x2  }
0x23: {  	[tilespmem:s6], [sflag:$0x1] =	stream.indirect_vreg.gather [hbm4b:s2+s3], $0x80, v4, vm0, $0xb8;
	[tilespmem:$0x10100] =	vst v63  }
0x24: {  	s7 =	rddreg [dreg:$0x6]  }
0x25: {  	[tilespmem:s7], [sflag:$0x1] =	stream.indirect_vreg.gather [hbm4b:s2+s3], $0x80, v3, vm0, $0xb8;
	[tilespmem:$0x10100] =	vst v63  }
0x26: {  	v3 =	vld [tilespmem:$0x10];
	_ =	sdelay $0x4  }
0x27: {  	v49 =	vshll.u32 v3, $0x1  }
0x28: {  	v3 =	vand.u32 $0x7, v3;
	v4 =	vand.u32 $0xFFFFFFF0, v49  }
0x29: {  	v3 =	vor.u32 v3, v4  }
0x2a: {  	v4 =	vperm.xlane v3, v0;
	_ =	sdelay $0x1  }
0x2b: {  	v3 =	vperm.xlane v3, v2;
	v4 =	vadd.s32 v1, v4;
	_ =	sdelay $0x1  }
0x2c: {  	v3 =	vadd.s32 v1, v3;
	_ =	sdelay $0x1  }
0x2d: {  	s0 =	rddreg [dreg:$0x7]  }
0x2e: {  	[tilespmem:s0], [sflag:$0x1] =	stream.indirect_vreg.gather [hbm4b:s2+s3], $0x80, v4, vm0, $0xb8;
	[tilespmem:$0x10100] =	vst v63  }
0x2f: {  	s7 =	rddreg [dreg:$0x8]  }
0x30: {  	[tilespmem:s7], [sflag:$0x1] =	stream.indirect_vreg.gather [hbm4b:s2+s3], $0x80, v3, vm0, $0xb8;
	[tilespmem:$0x10100] =	vst v63  }
0x31: {  	v3 =	vld [tilespmem:$0x20];
	_ =	sdelay $0x4  }
0x32: {  	v50 =	vshll.u32 v3, $0x1  }
0x33: {  	v3 =	vand.u32 $0x7, v3;
	v4 =	vand.u32 $0xFFFFFFF0, v50  }
0x34: {  	v3 =	vor.u32 v3, v4  }
0x35: {  	v4 =	vperm.xlane v3, v0;
	_ =	sdelay $0x1  }
0x36: {  	v3 =	vperm.xlane v3, v2;
	v4 =	vadd.s32 v1, v4;
	_ =	sdelay $0x1  }
0x37: {  	v3 =	vadd.s32 v1, v3;
	_ =	sdelay $0x1  }
0x38: {  	s0 =	rddreg [dreg:$0x9]  }
0x39: {  	[tilespmem:s0], [sflag:$0x1] =	stream.indirect_vreg.gather [hbm4b:s2+s3], $0x80, v4, vm0, $0xb8;
	[tilespmem:$0x10100] =	vst v63  }
0x3a: {  	s7 =	rddreg [dreg:$0xa]  }
0x3b: {  	[tilespmem:s7], [sflag:$0x1] =	stream.indirect_vreg.gather [hbm4b:s2+s3], $0x80, v3, vm0, $0xb8;
	[tilespmem:$0x10100] =	vst v63  }
0x3c: {  	v3 =	vld [tilespmem:$0x30];
	_ =	sdelay $0x4  }
0x3d: {  	v51 =	vshll.u32 v3, $0x1  }
0x3e: {  	v3 =	vand.u32 $0x7, v3;
	v4 =	vand.u32 $0xFFFFFFF0, v51  }
0x3f: {  	v3 =	vor.u32 v3, v4  }
0x40: {  	v4 =	vperm.xlane v3, v0;
	_ =	sdelay $0x1  }
0x41: {  	v3 =	vperm.xlane v3, v2;
	v4 =	vadd.s32 v1, v4;
	_ =	sdelay $0x1  }
0x42: {  	v3 =	vadd.s32 v1, v3;
	_ =	sdelay $0x1  }
0x43: {  	s0 =	rddreg [dreg:$0xb]  }
0x44: {  	[tilespmem:s0], [sflag:$0x1] =	stream.indirect_vreg.gather [hbm4b:s2+s3], $0x80, v4, vm0, $0xb8;
	[tilespmem:$0x10100] =	vst v63  }
0x45: {  	s7 =	rddreg [dreg:$0xc]  }
0x46: {  	[tilespmem:s7], [sflag:$0x1] =	stream.indirect_vreg.gather [hbm4b:s2+s3], $0x80, v3, vm0, $0xb8;
	[tilespmem:$0x10100] =	vst v63  }
0x47: {  	v3 =	vld [tilespmem:$0x40];
	_ =	sdelay $0x4  }
0x48: {  	v52 =	vshll.u32 v3, $0x1  }
0x49: {  	v3 =	vand.u32 $0x7, v3;
	v4 =	vand.u32 $0xFFFFFFF0, v52  }
0x4a: {  	v3 =	vor.u32 v3, v4  }
0x4b: {  	v4 =	vperm.xlane v3, v0;
	_ =	sdelay $0x1  }
0x4c: {  	v3 =	vperm.xlane v3, v2;
	v4 =	vadd.s32 v1, v4;
	_ =	sdelay $0x1  }
0x4d: {  	v3 =	vadd.s32 v1, v3;
	_ =	sdelay $0x1  }
0x4e: {  	s7 =	simm.s32 $0x4100  }
0x4f: {  	[tilespmem:s7], [sflag:$0x1] =	stream.indirect_vreg.gather [hbm4b:s2+s3], $0x80, v4, vm0, $0xb8;
	[tilespmem:$0x10100] =	vst v63  }
0x50: {  	_ = 	snop  }
0x51: {  	[tilespmem:s8], [sflag:$0x1] =	stream.indirect_vreg.gather [hbm4b:s2+s3], $0x80, v3, vm0, $0xb8;
	[tilespmem:$0x10100] =	vst v63  }
0x52: {  	v3 =	vld [tilespmem:$0x50];
	_ =	sdelay $0x4  }
0x53: {  	v53 =	vshll.u32 v3, $0x1  }
0x54: {  	v3 =	vand.u32 $0x7, v3;
	v4 =	vand.u32 $0xFFFFFFF0, v53  }
0x55: {  	v3 =	vor.u32 v3, v4  }
0x56: {  	v4 =	vperm.xlane v3, v0;
	_ =	sdelay $0x1  }
0x57: {  	v3 =	vperm.xlane v3, v2;
	v4 =	vadd.s32 v1, v4;
	_ =	sdelay $0x1  }
0x58: {  	v3 =	vadd.s32 v1, v3;
	_ =	sdelay $0x2  }
0x59: {  	[tilespmem:s9], [sflag:$0x1] =	stream.indirect_vreg.gather [hbm4b:s2+s3], $0x80, v4, vm0, $0xb8;
	[tilespmem:$0x10100] =	vst v63  }
0x5a: {  	_ = 	snop  }
0x5b: {  	[tilespmem:s10], [sflag:$0x1] =	stream.indirect_vreg.gather [hbm4b:s2+s3], $0x80, v3, vm0, $0xb8;
	[tilespmem:$0x10100] =	vst v63  }
0x5c: {  	v3 =	vld [tilespmem:$0x60];
	_ =	sdelay $0x4  }
0x5d: {  	v54 =	vshll.u32 v3, $0x1  }
0x5e: {  	v3 =	vand.u32 $0x7, v3;
	v4 =	vand.u32 $0xFFFFFFF0, v54  }
0x5f: {  	v3 =	vor.u32 v3, v4  }
0x60: {  	v4 =	vperm.xlane v3, v0;
	_ =	sdelay $0x1  }
0x61: {  	v3 =	vperm.xlane v3, v2;
	v4 =	vadd.s32 v1, v4;
	_ =	sdelay $0x1  }
0x62: {  	v3 =	vadd.s32 v1, v3;
	_ =	sdelay $0x2  }
0x63: {  	[tilespmem:s11], [sflag:$0x1] =	stream.indirect_vreg.gather [hbm4b:s2+s3], $0x80, v4, vm0, $0xb8;
	[tilespmem:$0x10100] =	vst v63  }
0x64: {  	_ = 	snop  }
0x65: {  	[tilespmem:s12], [sflag:$0x1] =	stream.indirect_vreg.gather [hbm4b:s2+s3], $0x80, v3, vm0, $0xb8;
	[tilespmem:$0x10100] =	vst v63  }
0x66: {  	v3 =	vld [tilespmem:$0x70];
	_ =	sdelay $0x4  }
0x67: {  	v55 =	vshll.u32 v3, $0x1  }
0x68: {  	v3 =	vand.u32 $0x7, v3;
	v4 =	vand.u32 $0xFFFFFFF0, v55  }
0x69: {  	v3 =	vor.u32 v3, v4  }
0x6a: {  	v4 =	vperm.xlane v3, v0;
	_ =	sdelay $0x1  }
0x6b: {  	v3 =	vperm.xlane v3, v2;
	v4 =	vadd.s32 v1, v4;
	_ =	sdelay $0x1  }
0x6c: {  	v3 =	vadd.s32 v1, v3;
	_ =	sdelay $0x2  }
0x6d: {  	[tilespmem:s13], [sflag:$0x1] =	stream.indirect_vreg.gather [hbm4b:s2+s3], $0x80, v4, vm0, $0xb8;
	[tilespmem:$0x10100] =	vst v63  }
0x6e: {  	_ = 	snop  }
0x6f: {  	[tilespmem:s14], [sflag:$0x1] =	stream.indirect_vreg.gather [hbm4b:s2+s3], $0x80, v3, vm0, $0xb8;
	[tilespmem:$0x10100] =	vst v63  }
0x70: {  	v3 =	vld [tilespmem:$0x80];
	_ =	sdelay $0x4  }
0x71: {  	v56 =	vshll.u32 v3, $0x1  }
0x72: {  	v3 =	vand.u32 $0x7, v3;
	v4 =	vand.u32 $0xFFFFFFF0, v56  }
0x73: {  	v3 =	vor.u32 v3, v4  }
0x74: {  	v4 =	vperm.xlane v3, v0;
	_ =	sdelay $0x1  }
0x75: {  	v3 =	vperm.xlane v3, v2;
	v4 =	vadd.s32 v1, v4;
	_ =	sdelay $0x1  }
0x76: {  	v3 =	vadd.s32 v1, v3;
	_ =	sdelay $0x2  }
0x77: {  	[tilespmem:s15], [sflag:$0x1] =	stream.indirect_vreg.gather [hbm4b:s2+s3], $0x80, v4, vm0, $0xb8;
	[tilespmem:$0x10100] =	vst v63  }
0x78: {  	_ = 	snop  }
0x79: {  	[tilespmem:s16], [sflag:$0x1] =	stream.indirect_vreg.gather [hbm4b:s2+s3], $0x80, v3, vm0, $0xb8;
	[tilespmem:$0x10100] =	vst v63  }
0x7a: {  	v3 =	vld [tilespmem:$0x90];
	_ =	sdelay $0x4  }
0x7b: {  	v57 =	vshll.u32 v3, $0x1  }
0x7c: {  	v3 =	vand.u32 $0x7, v3;
	v4 =	vand.u32 $0xFFFFFFF0, v57  }
0x7d: {  	v3 =	vor.u32 v3, v4  }
0x7e: {  	v4 =	vperm.xlane v3, v0;
	_ =	sdelay $0x1  }
0x7f: {  	v3 =	vperm.xlane v3, v2;
	v4 =	vadd.s32 v1, v4;
	_ =	sdelay $0x1  }
0x80: {  	v3 =	vadd.s32 v1, v3;
	_ =	sdelay $0x2  }
0x81: {  	[tilespmem:s17], [sflag:$0x1] =	stream.indirect_vreg.gather [hbm4b:s2+s3], $0x80, v4, vm0, $0xb8;
	[tilespmem:$0x10100] =	vst v63  }
0x82: {  	_ = 	snop  }
0x83: {  	[tilespmem:s18], [sflag:$0x1] =	stream.indirect_vreg.gather [hbm4b:s2+s3], $0x80, v3, vm0, $0xb8;
	[tilespmem:$0x10100] =	vst v63  }
0x84: {  	v3 =	vld [tilespmem:$0xA0];
	_ =	sdelay $0x4  }
0x85: {  	v58 =	vshll.u32 v3, $0x1  }
0x86: {  	v3 =	vand.u32 $0x7, v3;
	v4 =	vand.u32 $0xFFFFFFF0, v58  }
0x87: {  	v3 =	vor.u32 v3, v4  }
0x88: {  	v4 =	vperm.xlane v3, v0;
	_ =	sdelay $0x1  }
0x89: {  	v3 =	vperm.xlane v3, v2;
	v4 =	vadd.s32 v1, v4;
	_ =	sdelay $0x1  }
0x8a: {  	v3 =	vadd.s32 v1, v3;
	_ =	sdelay $0x2  }
0x8b: {  	[tilespmem:s19], [sflag:$0x1] =	stream.indirect_vreg.gather [hbm4b:s2+s3], $0x80, v4, vm0, $0xb8;
	[tilespmem:$0x10100] =	vst v63  }
0x8c: {  	_ = 	snop  }
0x8d: {  	[tilespmem:s20], [sflag:$0x1] =	stream.indirect_vreg.gather [hbm4b:s2+s3], $0x80, v3, vm0, $0xb8;
	[tilespmem:$0x10100] =	vst v63  }
0x8e: {  	v3 =	vld [tilespmem:$0xB0];
	_ =	sdelay $0x4  }
0x8f: {  	v59 =	vshll.u32 v3, $0x1  }
0x90: {  	v3 =	vand.u32 $0x7, v3;
	v4 =	vand.u32 $0xFFFFFFF0, v59  }
0x91: {  	v3 =	vor.u32 v3, v4  }
0x92: {  	v4 =	vperm.xlane v3, v0;
	_ =	sdelay $0x1  }
0x93: {  	v3 =	vperm.xlane v3, v2;
	v4 =	vadd.s32 v1, v4;
	_ =	sdelay $0x1  }
0x94: {  	v3 =	vadd.s32 v1, v3;
	_ =	sdelay $0x2  }
0x95: {  	[tilespmem:s21], [sflag:$0x1] =	stream.indirect_vreg.gather [hbm4b:s2+s3], $0x80, v4, vm0, $0xb8;
	[tilespmem:$0x10100] =	vst v63  }
0x96: {  	_ = 	snop  }
0x97: {  	[tilespmem:s22], [sflag:$0x1] =	stream.indirect_vreg.gather [hbm4b:s2+s3], $0x80, v3, vm0, $0xb8;
	[tilespmem:$0x10100] =	vst v63  }
0x98: {  	v3 =	vld [tilespmem:$0xC0];
	_ =	sdelay $0x4  }
0x99: {  	v60 =	vshll.u32 v3, $0x1  }
0x9a: {  	v3 =	vand.u32 $0x7, v3;
	v4 =	vand.u32 $0xFFFFFFF0, v60  }
0x9b: {  	v3 =	vor.u32 v3, v4  }
0x9c: {  	v4 =	vperm.xlane v3, v0;
	_ =	sdelay $0x1  }
0x9d: {  	v3 =	vperm.xlane v3, v2;
	v4 =	vadd.s32 v1, v4;
	_ =	sdelay $0x1  }
0x9e: {  	v3 =	vadd.s32 v1, v3;
	_ =	sdelay $0x2  }
0x9f: {  	[tilespmem:s23], [sflag:$0x1] =	stream.indirect_vreg.gather [hbm4b:s2+s3], $0x80, v4, vm0, $0xb8;
	[tilespmem:$0x10100] =	vst v63  }
0xa0: {  	_ = 	snop  }
0xa1: {  	[tilespmem:s24], [sflag:$0x1] =	stream.indirect_vreg.gather [hbm4b:s2+s3], $0x80, v3, vm0, $0xb8;
	[tilespmem:$0x10100] =	vst v63  }
0xa2: {  	v3 =	vld [tilespmem:$0xD0];
	_ =	sdelay $0x4  }
0xa3: {  	v61 =	vshll.u32 v3, $0x1  }
0xa4: {  	v3 =	vand.u32 $0x7, v3;
	v4 =	vand.u32 $0xFFFFFFF0, v61  }
0xa5: {  	v3 =	vor.u32 v3, v4  }
0xa6: {  	v4 =	vperm.xlane v3, v0;
	_ =	sdelay $0x1  }
0xa7: {  	v3 =	vperm.xlane v3, v2;
	v4 =	vadd.s32 v1, v4;
	_ =	sdelay $0x1  }
0xa8: {  	v3 =	vadd.s32 v1, v3;
	_ =	sdelay $0x2  }
0xa9: {  	[tilespmem:s25], [sflag:$0x1] =	stream.indirect_vreg.gather [hbm4b:s2+s3], $0x80, v4, vm0, $0xb8;
	[tilespmem:$0x10100] =	vst v63  }
0xaa: {  	_ = 	snop  }
0xab: {  	[tilespmem:s26], [sflag:$0x1] =	stream.indirect_vreg.gather [hbm4b:s2+s3], $0x80, v3, vm0, $0xb8;
	[tilespmem:$0x10100] =	vst v63  }
0xac: {  	v3 =	vld [tilespmem:$0xE0];
	_ =	sdelay $0x4  }
0xad: {  	v62 =	vshll.u32 v3, $0x1  }
0xae: {  	v3 =	vand.u32 $0x7, v3;
	v4 =	vand.u32 $0xFFFFFFF0, v62  }
0xaf: {  	v3 =	vor.u32 v3, v4  }
0xb0: {  	v4 =	vperm.xlane v3, v0;
	_ =	sdelay $0x1  }
0xb1: {  	v3 =	vperm.xlane v3, v2;
	v4 =	vadd.s32 v1, v4;
	_ =	sdelay $0x1  }
0xb2: {  	v3 =	vadd.s32 v1, v3;
	_ =	sdelay $0x2  }
0xb3: {  	[tilespmem:s28], [sflag:$0x1] =	stream.indirect_vreg.gather [hbm4b:s2+s3], $0x80, v4, vm0, $0xb8;
	[tilespmem:$0x10100] =	vst v63  }
0xb4: {  	_ = 	snop  }
0xb5: {  	[tilespmem:s29], [sflag:$0x1] =	stream.indirect_vreg.gather [hbm4b:s2+s3], $0x80, v3, vm0, $0xb8;
	[tilespmem:$0x10100] =	vst v63  }
0xb6: {  	v3 =	vld [tilespmem:$0xF0];
	_ =	sdelay $0x4  }
0xb7: {  	v63 =	vshll.u32 v3, $0x1  }
0xb8: {  	v3 =	vand.u32 $0x7, v3;
	v4 =	vand.u32 $0xFFFFFFF0, v63  }
0xb9: {  	v3 =	vor.u32 v3, v4  }
0xba: {  	v4 =	vperm.xlane v3, v0;
	_ =	sdelay $0x1  }
0xbb: {  	v3 =	vperm.xlane v3, v2;
	v4 =	vadd.s32 v1, v4;
	_ =	sdelay $0x1  }
0xbc: {  	v3 =	vadd.s32 v1, v3;
	_ =	sdelay $0x2  }
0xbd: {  	[tilespmem:s30], [sflag:$0x1] =	stream.indirect_vreg.gather [hbm4b:s2+s3], $0x80, v4, vm0, $0xb8;
	[tilespmem:$0x10100] =	vst v63  }
0xbe: {  	_ = 	snop  }
0xbf: {  	[tilespmem:s31], [sflag:$0x1] =	stream.indirect_vreg.gather [hbm4b:s2+s3], $0x80, v3, vm0, $0xb8;
	[tilespmem:$0x10100] =	vst v63  }
0xc0: {  	_ =	swait.ge [sflag:s1], $0x8000  }
0xc1: {  	[sflag:s1] =	ssyncset.done $0x0  }
0xc2: {  	[sflag:s1] =	ssyncadd.s32 $0xFFFF8000  }
0xc3: {  	_ =	swait.ge [sflag:s1], $0x8000  }
0xc4: {  	p0 =	sne.s32 s4, $0x1;
	[sflag:s1] =	ssyncset.done $0x0  }
.Ltmp0:
0xc5: {  	s7 =	rddreg [dreg:$0x5];
	[sflag:s1] =	ssyncadd.s32 $0xFFFF8000;
	(pc) =	sbr.rel @p0 .LBB2_1-.Ltmp0, $4  }
0xc6: {  	[hbm4b:s7+s3] =	stream.linear.scatter [tilespmem:s6], [sflag:$0x2], $0x10000, $0x38;
	[tilespmem:$0x10100] =	vst v63  }
0xc7: {  	_ =	swait.ge [sflag:s5], $0x10000  }
0xc8: {  	[sflag:s5] =	ssyncset.done $0x0  }
0xc9: {  	s4 =	sadd.s32 $0xFFFFFFFF, s4;
	[sflag:s5] =	ssyncadd.s32 $0xFFFF0000  }
0xca: {  	_ =	sfence.sel $0x180000  }
0xcb: {  	[bflag:$0x0] =	sbarrier.arrive $0xFFFF  }
0xcc: {  	_ =	strace $0x90000047  }
0xcd: {  	s0 =	stileid.u32;
	[bflag:$0x2] =	sbarrier.arrive $0xFFFF  }
0xce: {  	p0 =	sne.s32 s0, $0x0;
	s0 =	rddreg [dreg:$0x3]  }
0xcf: {  	s0 =	sadd.s32 @!p0 $0x100000, s0  }
0xd0: {  	[sflag:s0] =	ssyncadd.tile.s32 @!p0 $0x1;
	_ =	shalt  }
.Lfunc_end2:
_tile_overlayer_lowered:
.L_overlay_start_2:
0xd1: {  	(tag) =	ssettag $0x2  }
0xd2: {  	s0 =	rddreg [dreg:$0x0];
	s2 =	stileid.u32  }
0xd3: {  	s1 =	rddreg [dreg:$0x1];
	p0 =	sne.s32 s2, $0x0  }
0xd4: {  	s3 =	rddreg [dreg:$0x2];
	[bflag:$0x3] =	sbarrier.arrive $0xFFFF;
	s2 =	simm.s32 @!p0 $0x1C02  }
0xd5: {  	[timem:s3], [sflag:s2] =	dma.local @!p0 [hbm:s0], s1  }
0xd6: {  	s0 =	simm.s32 @!p0 $0x2  }
0xd7: {  	_ =	swait.ge @!p0 [sflag:s0], s1  }
0xd8: {  	s1 =	ssub.s32 @!p0 $0x0, s1;
	[sflag:s0] =	ssyncset.done @!p0 $0x0  }
0xd9: {  	[sflag:s0] =	ssyncadd.s32 @!p0 s1  }
0xda: {  	[bflag:$0x3] =	sbarrier.arrive $0xFFFF  }
0xdb: {  	_ =	shalt  }

</sc_bundles>
